<compile_context>
chip_gen: v7x
topology: tpu7x:2x2x1
jax: 0.10.2.dev20260603
libtpu: 0.0.44.dev20260713+nightly
codegen_flags: <defaults>
</compile_context>

<pallas_src>
import functools

import jax
import jax.numpy as jnp
from jax import lax
from jax.experimental import pallas as pl
from jax.experimental.pallas import tpu as pltpu
from jax.experimental.pallas import tpu_sc as plsc

L = 16
CH = 32
CCH = 32
NBUF = 4
TCH = 2048


def _shift_up(x, iota):
    idx = jnp.minimum(iota + 1, L - 1).reshape(L, 1)
    dn = lax.GatherDimensionNumbers(
        offset_dims=(), collapsed_slice_dims=(0,), start_index_map=(0,))
    return lax.gather(x, idx, dn, (1,),
                      mode=lax.GatherScatterMode.PROMISE_IN_BOUNDS)


def _make_sc_scatter(T, S, ROW, BS):
    info = plsc.get_sparse_core_info()
    NC, NS = info.num_cores, info.num_subcores
    NW = NC * NS
    SPW = S // NW
    STG = SPW + L
    NCH = SPW // CCH
    NKC = T // TCH
    IPC = NCH // NKC
    GPI = (TCH // L) // IPC
    assert NCH % NKC == 0 and (TCH // L) % IPC == 0
    mesh = plsc.VectorSubcoreMesh(core_axis_name="c", subcore_axis_name="s")

    @functools.partial(
        pl.kernel, mesh=mesh,
        out_type=jax.ShapeDtypeStruct((S, ROW), jnp.float32),
        compiler_params=pltpu.CompilerParams(needs_layout_passes=False),
        scratch_types=[
            pltpu.VMEM((TCH,), jnp.int32),
            pltpu.VMEM((TCH,), jnp.int32),
            pltpu.VMEM((TCH,), jnp.int32),
            pltpu.VMEM((TCH,), jnp.int32),
            pltpu.VMEM((SPW,), jnp.int32),
            pltpu.VMEM((STG,), jnp.int32),
            pltpu.VMEM((STG,), jnp.int32),
            pltpu.VMEM((CH,), jnp.int32),
            pltpu.VMEM((CH,), jnp.int32),
            pltpu.VMEM((CH,), jnp.int32),
            pltpu.VMEM((CH,), jnp.int32),
            pltpu.VMEM((CH, ROW), jnp.float32),
            pltpu.VMEM((CH, ROW), jnp.float32),
            pltpu.VMEM((CCH, ROW), jnp.float32),
            pltpu.VMEM((CCH, ROW), jnp.float32),
            pltpu.VMEM((CCH, ROW), jnp.float32),
            pltpu.VMEM((CCH, ROW), jnp.float32),
            pltpu.SemaphoreType.DMA,
            pltpu.SemaphoreType.DMA,
            pltpu.SemaphoreType.DMA,
            pltpu.SemaphoreType.DMA,
            pltpu.SemaphoreType.DMA,
            pltpu.SemaphoreType.DMA,
            pltpu.SemaphoreType.DMA,
            pltpu.SemaphoreType.DMA,
            pltpu.SemaphoreType.DMA,
            pltpu.SemaphoreType.DMA,
            pltpu.SemaphoreType.DMA,
            pltpu.SemaphoreType.DMA,
            pltpu.SemaphoreType.DMA,
            pltpu.SemaphoreType.DMA,
            pltpu.SemaphoreType.DMA,
            pltpu.SemaphoreType.DMA,
        ],
    )
    def sc_scatter(inp_hbm, cache_hbm, bi_hbm, bo_hbm, out_hbm,
                   biv0, biv1, bov0, bov1, wtab, sstage, tstage,
                   gidx0, sidx0, gidx1, sidx1, rows0, rows1,
                   buf0, buf1, buf2, buf3,
                   si0, si1, si2, si3, so0, so1, so2, so3,
                   kb0, kb1, ko0, ko1, sg0, sg1, ss0, ss1):
        wid = lax.axis_index("s") * NC + lax.axis_index("c")
        base = wid * SPW
        iota = lax.iota(jnp.int32, L)

        bufs = (buf0, buf1, buf2, buf3)
        sins = (si0, si1, si2, si3)
        souts = (so0, so1, so2, so3)
        bivs, bovs = (biv0, biv1), (bov0, bov1)
        kbs, kos = (kb0, kb1), (ko0, ko1)
        gidxs, sidxs = (gidx0, gidx1), (sidx0, sidx1)
        rowss = (rows0, rows1)
        sgs, sss = (sg0, sg1), (ss0, ss1)

        def zbody(j, _):
            wtab[pl.ds(j * L, L)] = jnp.zeros((L,), jnp.int32)
            return 0
        lax.fori_loop(0, SPW // L, zbody, 0)

        def win(sem, buf):
            pltpu.make_async_copy(cache_hbm.at[pl.ds(base, CCH)], buf, sem).wait()

        def wout(sem, buf):
            pltpu.make_async_copy(buf, out_hbm.at[pl.ds(base, CCH)], sem).wait()

        def wkey(sem, buf):
            pltpu.make_async_copy(bi_hbm.at[pl.ds(0, TCH)], buf, sem).wait()

        pltpu.async_copy(cache_hbm.at[pl.ds(base, CCH)], buf0, si0)
        pltpu.async_copy(cache_hbm.at[pl.ds(base + CCH, CCH)], buf1, si1)
        pltpu.async_copy(bi_hbm.at[pl.ds(0, TCH)], biv0, kb0)
        pltpu.async_copy(bo_hbm.at[pl.ds(0, TCH)], bov0, ko0)

        def bslice(bv, ov, i):
            c = i // IPC

            def gb(k, _):
                g = (i % IPC) * GPI + k
                b16 = bv[pl.ds(g * L, L)]
                o16 = ov[pl.ds(g * L, L)]
                k16 = b16 * BS + o16
                rel = k16 - base
                inr = (rel >= 0) & (rel < SPW)

                @pl.when(jnp.any(inr))
                def _():
                    tok = c * TCH + g * L + iota
                    combo = k16 * T + tok
                    cs = jnp.sort(combo)
                    ks = lax.shift_right_logical(cs, 14)
                    ts = cs & (T - 1)
                    rels = ks - base
                    inrs = (rels >= 0) & (rels < SPW)
                    nxt = _shift_up(ks, iota)
                    keep = (ks != nxt) | (iota == L - 1)
                    m = inrs & keep
                    plsc.store_scatter(wtab, [rels], ts + 1, mask=m)
                return 0
            lax.fori_loop(0, GPI, gb, 0)

        def abody(i, _):
            p = i + 2
            for b in range(NBUF):
                @pl.when(i % NBUF == b)
                def _(b=b):
                    pb = (b + 2) % NBUF

                    @pl.when((p < NCH) & (i >= 2))
                    def _():
                        wout(souts[pb], bufs[pb])

                    @pl.when(p < NCH)
                    def _():
                        pltpu.async_copy(
                            cache_hbm.at[pl.ds(base + p * CCH, CCH)],
                            bufs[pb], sins[pb])
                    win(sins[b], bufs[b])
                    pltpu.async_copy(
                        bufs[b], out_hbm.at[pl.ds(base + i * CCH, CCH)], souts[b])

            c = i // IPC
            for q in range(2):
                @pl.when((i % IPC == 0) & (c % 2 == q))
                def _(q=q):
                    wkey(kbs[q], bivs[q])
                    wkey(kos[q], bovs[q])

                    @pl.when(c + 1 < NKC)
                    def _():
                        pltpu.async_copy(
                            bi_hbm.at[pl.ds((c + 1) * TCH, TCH)],
                            bivs[1 - q], kbs[1 - q])
                        pltpu.async_copy(
                            bo_hbm.at[pl.ds((c + 1) * TCH, TCH)],
                            bovs[1 - q], kos[1 - q])

            for q in range(2):
                @pl.when(c % 2 == q)
                def _(q=q):
                    bslice(bivs[q], bovs[q], i)
            return 0

        lax.fori_loop(0, NCH, abody, 0)
        for b in range(NBUF):
            wout(souts[b], bufs[b])

        def cbody(j, cnt):
            w = wtab[pl.ds(j * L, L)]
            m = w > 0
            slots_g = base + j * L + iota
            toks = w - 1
            plsc.store_compressed(sstage.at[pl.ds(cnt, L)], slots_g, mask=m)
            plsc.store_compressed(tstage.at[pl.ds(cnt, L)], toks, mask=m)
            cpc = plsc.all_reduce_population_count(m)
            cpc = cpc if cpc.ndim == 0 else cpc[0]
            return cnt + cpc
        cnt = lax.fori_loop(0, SPW // L, cbody, jnp.int32(0))

        nch = (cnt + CH - 1) // CH
        f = (cnt // L) * L

        @pl.when(cnt > 0)
        def _():
            bslot = sstage[pl.ds(0, L)][0]
            btok = tstage[pl.ds(0, L)][0]
            lane = f + iota
            vm = lane >= cnt
            sv = sstage[pl.ds(f, L)]
            sstage[pl.ds(f, L)] = jnp.where(vm, bslot, sv)
            tv = tstage[pl.ds(f, L)]
            tstage[pl.ds(f, L)] = jnp.where(vm, btok, tv)

            def fbody(p2, _):
                sstage[pl.ds(p2 * L, L)] = jnp.full((L,), bslot, jnp.int32)
                tstage[pl.ds(p2 * L, L)] = jnp.full((L,), btok, jnp.int32)
                return 0
            lax.fori_loop(f // L + 1, (nch * CH) // L, fbody, 0)

        def fillidx(q, ci):
            for u in range(CH // L):
                gidxs[q][pl.ds(u * L, L)] = tstage[pl.ds(ci * CH + u * L, L)]
                sidxs[q][pl.ds(u * L, L)] = sstage[pl.ds(ci * CH + u * L, L)]

        def wgather(q):
            pltpu.make_async_copy(inp_hbm.at[gidxs[q]], rowss[q], sgs[q]).wait()

        def wscatter(q):
            pltpu.make_async_copy(rowss[q], out_hbm.at[sidxs[q]], sss[q]).wait()

        @pl.when(nch > 0)
        def _():
            fillidx(0, 0)
            pltpu.async_copy(inp_hbm.at[gidxs[0]], rowss[0], sgs[0])

            def dbody(ci, _):
                for q in range(2):
                    @pl.when(ci % 2 == q)
                    def _(q=q):
                        wgather(q)
                        pltpu.async_copy(rowss[q], out_hbm.at[sidxs[q]], sss[q])

                        @pl.when(ci + 1 < nch)
                        def _():
                            @pl.when(ci >= 1)
                            def _():
                                wscatter(1 - q)
                            fillidx(1 - q, ci + 1)
                            pltpu.async_copy(
                                inp_hbm.at[gidxs[1 - q]], rowss[1 - q],
                                sgs[1 - q])
                return 0
            lax.fori_loop(0, nch, dbody, 0)

            @pl.when(nch >= 2)
            def _():
                wscatter(0)
                wscatter(1)

            @pl.when(nch == 1)
            def _():
                wscatter(0)

    return sc_scatter


def kernel(input, cache, block_indices, block_offset):
    T, H, D = input.shape
    NB, BS = cache.shape[0], cache.shape[1]
    S, ROW = NB * BS, H * D
    inp2 = input.reshape(T, ROW)
    cache2 = cache.reshape(S, ROW)
    out2 = _make_sc_scatter(T, S, ROW, BS)(
        inp2, cache2, block_indices, block_offset)
    return out2.reshape(NB, BS, H, D)

# --- scband reference (transcript-rebuilt; emitter-appended) ---
"""Pipeline reference for scband-patched-vllmkvcache-5781025980799 (READ-ONLY COPY).

The authoritative reference and input builder live on the scoring server;
editing this copy changes nothing except your own understanding.
"""

import jax, jax.numpy as jnp
import numpy as np


def setup_inputs(seed: int = 0) -> dict:
    key = jax.random.key(seed)
    k1, k2, k3, k4 = jax.random.split(key, 4)
    num_blocks, block_size, H, D = 1024, 128, 4, 128
    T = 16384
    inp = jax.random.normal(k1, (T, H, D), dtype=jnp.float32)
    cache = jax.random.normal(k2, (num_blocks, block_size, H, D), dtype=jnp.float32)
    block_indices = jax.random.randint(k3, (T,), 0, num_blocks, dtype=jnp.int32)
    block_offset = jax.random.randint(k4, (T,), 0, block_size, dtype=jnp.int32)
    return {
        "input": inp,
        "cache": cache,
        "block_indices": block_indices,
        "block_offset": block_offset,
    }


def reference(input, cache, block_indices, block_offset):
    # PatchedVLLMKVCache.forward:
    #   qinput = self.quant_input(input)        -> identity quantizer (fp passthrough)
    #   output_cache = self.forward_orig(qinput, cache, block_indices, block_offset)
    #     forward_orig is vLLM's paged cache insert:
    #     cache[block_indices, block_offset] = input  (scatter-overwrite), returns cache
    #   return self.quant_output(output_cache)  -> identity quantizer
    qinput = input
    output_cache = cache.at[block_indices, block_offset].set(qinput)
    return output_cache

if __name__ == "__main__":
    import jax
    _d = setup_inputs()
    print(jax.jit(kernel)(*tuple(_d.values())))

</pallas_src>

<mosaic_0001>
#map = affine_map<(d0, d1) -> (0, 0)>
#map1 = affine_map<(d0, d1) -> (0)>
module attributes {stable_mosaic.version = 14 : i64} {
  func.func @sc_scatter(%arg0: i32, %arg1: i32, %arg2: memref<16384x512xf32, #tpu.memory_space<hbm>>, %arg3: memref<131072x512xf32, #tpu.memory_space<hbm>>, %arg4: memref<16384xi32, #tpu.memory_space<hbm>>, %arg5: memref<16384xi32, #tpu.memory_space<hbm>>, %arg6: memref<131072x512xf32, #tpu.memory_space<hbm>>, %arg7: memref<2048xi32, #tpu.memory_space<vmem>>, %arg8: memref<2048xi32, #tpu.memory_space<vmem>>, %arg9: memref<2048xi32, #tpu.memory_space<vmem>>, %arg10: memref<2048xi32, #tpu.memory_space<vmem>>, %arg11: memref<4096xi32, #tpu.memory_space<vmem>>, %arg12: memref<4112xi32, #tpu.memory_space<vmem>>, %arg13: memref<4112xi32, #tpu.memory_space<vmem>>, %arg14: memref<32xi32, #tpu.memory_space<vmem>>, %arg15: memref<32xi32, #tpu.memory_space<vmem>>, %arg16: memref<32xi32, #tpu.memory_space<vmem>>, %arg17: memref<32xi32, #tpu.memory_space<vmem>>, %arg18: memref<32x512xf32, #tpu.memory_space<vmem>>, %arg19: memref<32x512xf32, #tpu.memory_space<vmem>>, %arg20: memref<32x512xf32, #tpu.memory_space<vmem>>, %arg21: memref<32x512xf32, #tpu.memory_space<vmem>>, %arg22: memref<32x512xf32, #tpu.memory_space<vmem>>, %arg23: memref<32x512xf32, #tpu.memory_space<vmem>>, %arg24: memref<!tpu.dma_semaphore, #tpu.memory_space<semaphore_mem>>, %arg25: memref<!tpu.dma_semaphore, #tpu.memory_space<semaphore_mem>>, %arg26: memref<!tpu.dma_semaphore, #tpu.memory_space<semaphore_mem>>, %arg27: memref<!tpu.dma_semaphore, #tpu.memory_space<semaphore_mem>>, %arg28: memref<!tpu.dma_semaphore, #tpu.memory_space<semaphore_mem>>, %arg29: memref<!tpu.dma_semaphore, #tpu.memory_space<semaphore_mem>>, %arg30: memref<!tpu.dma_semaphore, #tpu.memory_space<semaphore_mem>>, %arg31: memref<!tpu.dma_semaphore, #tpu.memory_space<semaphore_mem>>, %arg32: memref<!tpu.dma_semaphore, #tpu.memory_space<semaphore_mem>>, %arg33: memref<!tpu.dma_semaphore, #tpu.memory_space<semaphore_mem>>, %arg34: memref<!tpu.dma_semaphore, #tpu.memory_space<semaphore_mem>>, %arg35: memref<!tpu.dma_semaphore, #tpu.memory_space<semaphore_mem>>, %arg36: memref<!tpu.dma_semaphore, #tpu.memory_space<semaphore_mem>>, %arg37: memref<!tpu.dma_semaphore, #tpu.memory_space<semaphore_mem>>, %arg38: memref<!tpu.dma_semaphore, #tpu.memory_space<semaphore_mem>>, %arg39: memref<!tpu.dma_semaphore, #tpu.memory_space<semaphore_mem>>) attributes {dimension_semantics = [#tpu.dimension_semantics<core_parallel>, #tpu.dimension_semantics<subcore_parallel>], iteration_bounds = array<i64: 2, 16>, scalar_prefetch = 0 : i64, scratch_operands = 33 : i64, tpu.core_type = #tpu.core_type<sc_vector_subcore>, window_params = [{transform_indices = #map}, {transform_indices = #map}, {transform_indices = #map1}, {transform_indices = #map1}, {transform_indices = #map}]} {
    %mul3A = arith.constant 2 : i32
    %mul3A_0 = arith.muli %arg1, %mul3A : i32
    %add3A = arith.addi %mul3A_0, %arg0 : i32
    %mul3A_1 = arith.constant 4096 : i32
    %mul3A_2 = arith.muli %add3A, %mul3A_1 : i32
    %iota3A = tpu.iota {dimensions = array<i32: 0>} : vector<16xi32>
    %scan3A = arith.constant 0 : i32
    %scan3A_3 = arith.constant 0 : i32
    %scan3A_4 = arith.constant 256 : i32
    %scan3A_5 = arith.addi %scan3A_3, %scan3A_4 : i32
    %scan3A_6 = arith.constant 1 : i32
    %scan3A_7 = scf.for %scan3A_108 = %scan3A_3 to %scan3A_5 step %scan3A_6 iter_args(%scan3A_109 = %scan3A) -> (i32)  : i32 {
      %broadcast_in_dim3A = arith.constant 0 : i32
      %broadcast_in_dim3A_110 = vector.broadcast %broadcast_in_dim3A : i32 to vector<16xi32>
      %mul3A_111 = arith.constant 16 : i32
      %mul3A_112 = arith.muli %scan3A_108, %mul3A_111 : i32
      %swap3A = arith.index_cast %mul3A_112 : i32 to index
      %swap3A_113 = tpu.vector_load %arg11[%swap3A] {strides = array<i32>} : memref<4096xi32, #tpu.memory_space<vmem>>, vector<16xi32>,
      tpu.vector_store %arg11[%swap3A], %broadcast_in_dim3A_110 {strides = array<i32>} : memref<4096xi32, #tpu.memory_space<vmem>>, vector<16xi32>,
      %scan3A_114 = arith.constant 0 : i32
      scf.yield %scan3A_114 : i32
    }
    %scan3A_8 = arith.constant 256 : i32
    %dma_start3A = arith.constant 0 : i32
    %dma_start3A_9 = tpu.memref_slice %arg3[%mul3A_2, %dma_start3A] : memref<131072x512xf32, #tpu.memory_space<hbm>> -> memref<32x512xf32, #tpu.memory_space<hbm>>
    %dma_start3A_10 = arith.constant 0 : i32
    %dma_start3A_11 = tpu.memref_slice %arg3[%mul3A_2, %dma_start3A_10] : memref<131072x512xf32, #tpu.memory_space<hbm>> -> memref<32x512xf32, #tpu.memory_space<hbm>>
    tpu.enqueue_dma source(%dma_start3A_11 : memref<32x512xf32, #tpu.memory_space<hbm>>) target(%arg20 : memref<32x512xf32, #tpu.memory_space<vmem>>) target_semaphore(%arg24 : memref<!tpu.dma_semaphore, #tpu.memory_space<semaphore_mem>>)
    %add3A_12 = arith.constant 32 : i32
    %add3A_13 = arith.addi %mul3A_2, %add3A_12 : i32
    %dma_start3A_14 = arith.constant 0 : i32
    %dma_start3A_15 = tpu.memref_slice %arg3[%add3A_13, %dma_start3A_14] : memref<131072x512xf32, #tpu.memory_space<hbm>> -> memref<32x512xf32, #tpu.memory_space<hbm>>
    %dma_start3A_16 = arith.constant 0 : i32
    %dma_start3A_17 = tpu.memref_slice %arg3[%add3A_13, %dma_start3A_16] : memref<131072x512xf32, #tpu.memory_space<hbm>> -> memref<32x512xf32, #tpu.memory_space<hbm>>
    tpu.enqueue_dma source(%dma_start3A_17 : memref<32x512xf32, #tpu.memory_space<hbm>>) target(%arg21 : memref<32x512xf32, #tpu.memory_space<vmem>>) target_semaphore(%arg25 : memref<!tpu.dma_semaphore, #tpu.memory_space<semaphore_mem>>)
    %dma_start3A_18 = arith.constant 0 : i32
    %dma_start3A_19 = tpu.memref_slice %arg4[%dma_start3A_18] : memref<16384xi32, #tpu.memory_space<hbm>> -> memref<2048xi32, #tpu.memory_space<hbm>>
    %dma_start3A_20 = arith.constant 0 : i32
    %dma_start3A_21 = tpu.memref_slice %arg4[%dma_start3A_20] : memref<16384xi32, #tpu.memory_space<hbm>> -> memref<2048xi32, #tpu.memory_space<hbm>>
    tpu.enqueue_dma source(%dma_start3A_21 : memref<2048xi32, #tpu.memory_space<hbm>>) target(%arg7 : memref<2048xi32, #tpu.memory_space<vmem>>) target_semaphore(%arg32 : memref<!tpu.dma_semaphore, #tpu.memory_space<semaphore_mem>>)
    %dma_start3A_22 = arith.constant 0 : i32
    %dma_start3A_23 = tpu.memref_slice %arg5[%dma_start3A_22] : memref<16384xi32, #tpu.memory_space<hbm>> -> memref<2048xi32, #tpu.memory_space<hbm>>
    %dma_start3A_24 = arith.constant 0 : i32
    %dma_start3A_25 = tpu.memref_slice %arg5[%dma_start3A_24] : memref<16384xi32, #tpu.memory_space<hbm>> -> memref<2048xi32, #tpu.memory_space<hbm>>
    tpu.enqueue_dma source(%dma_start3A_25 : memref<2048xi32, #tpu.memory_space<hbm>>) target(%arg9 : memref<2048xi32, #tpu.memory_space<vmem>>) target_semaphore(%arg34 : memref<!tpu.dma_semaphore, #tpu.memory_space<semaphore_mem>>)
    %scan3A_26 = arith.constant 0 : i32
    %scan3A_27 = arith.constant 0 : i32
    %scan3A_28 = arith.constant 128 : i32
    %scan3A_29 = arith.addi %scan3A_27, %scan3A_28 : i32
    %scan3A_30 = arith.constant 1 : i32
    %scan3A_31 = scf.for %scan3A_108 = %scan3A_27 to %scan3A_29 step %scan3A_30 iter_args(%scan3A_109 = %scan3A_26) -> (i32)  : i32 {
      %add3A_110 = arith.constant 2 : i32
      %add3A_111 = arith.addi %scan3A_108, %add3A_110 : i32
      %jit3A_112 = arith.constant 4 : i32
      %eq3A = arith.constant 0 : i32
      %eq3A_113 = arith.cmpi eq, %jit3A_112, %eq3A : i32
      %jit3A_114 = arith.constant 1 : i32
      %select_n3A_115 = arith.select %eq3A_113, %jit3A_114, %jit3A_112 : i32
      %rem3A_116 = arith.remsi %scan3A_108, %select_n3A_115 : i32
      %ne3A_117 = arith.constant 0 : i32
      %ne3A_118 = arith.cmpi ne, %rem3A_116, %ne3A_117 : i32
      %lt3A = arith.constant 0 : i32
      %lt3A_119 = arith.cmpi slt, %rem3A_116, %lt3A : i32
      %lt3A_120 = arith.constant 0 : i32
      %lt3A_121 = arith.cmpi slt, %select_n3A_115, %lt3A_120 : i32
      %ne3A_122 = arith.xori %lt3A_119, %lt3A_121 : i1
      %and3A_123 = arith.andi %ne3A_122, %ne3A_118 : i1
      %add3A_124 = arith.addi %rem3A_116, %select_n3A_115 : i32
      %select_n3A_125 = arith.select %and3A_123, %add3A_124, %rem3A_116 : i32
      %eq3A_126 = arith.constant 0 : i32
      %eq3A_127 = arith.cmpi eq, %select_n3A_125, %eq3A_126 : i32
      %convert_element_type3A_128 = arith.extui %eq3A_127 : i1 to i32
      %cond3A_129 = arith.constant 0 : i32
      %cond3A_130 = arith.cmpi ne, %convert_element_type3A_128, %cond3A_129 : i32
      scf.if %cond3A_130 {
        %lt3A_341 = arith.constant 128 : i32
        %lt3A_342 = arith.cmpi slt, %add3A_111, %lt3A_341 : i32
        %ge3A = arith.constant 2 : i32
        %ge3A_343 = arith.cmpi sge, %scan3A_108, %ge3A : i32
        %and3A_344 = arith.andi %lt3A_342, %ge3A_343 : i1
        %convert_element_type3A_345 = arith.extui %and3A_344 : i1 to i32
        %cond3A_346 = arith.constant 0 : i32
        %cond3A_347 = arith.cmpi ne, %convert_element_type3A_345, %cond3A_346 : i32
        scf.if %cond3A_347 {
          %dma_wait3A_364 = arith.constant 0 : i32
          %dma_wait3A_365 = tpu.memref_slice %arg6[%mul3A_2, %dma_wait3A_364] : memref<131072x512xf32, #tpu.memory_space<hbm>> -> memref<32x512xf32, #tpu.memory_space<hbm>>
          %dma_wait3A_366 = arith.constant 0 : i32
          %dma_wait3A_367 = tpu.memref_slice %arg6[%mul3A_2, %dma_wait3A_366] : memref<131072x512xf32, #tpu.memory_space<hbm>> -> memref<32x512xf32, #tpu.memory_space<hbm>>
          tpu.wait_dma2 semaphore(%arg30 : memref<!tpu.dma_semaphore, #tpu.memory_space<semaphore_mem>>) src(%arg22 : memref<32x512xf32, #tpu.memory_space<vmem>>) dst(%dma_wait3A_367 : memref<32x512xf32, #tpu.memory_space<hbm>>)
        } else {
        }
        %lt3A_348 = arith.constant 128 : i32
        %lt3A_349 = arith.cmpi slt, %add3A_111, %lt3A_348 : i32
        %convert_element_type3A_350 = arith.extui %lt3A_349 : i1 to i32
        %cond3A_351 = arith.constant 0 : i32
        %cond3A_352 = arith.cmpi ne, %convert_element_type3A_350, %cond3A_351 : i32
        scf.if %cond3A_352 {
          %mul3A_364 = arith.constant 32 : i32
          %mul3A_365 = arith.muli %add3A_111, %mul3A_364 : i32
          %add3A_366 = arith.addi %mul3A_2, %mul3A_365 : i32
          %dma_start3A_367 = arith.constant 0 : i32
          %dma_start3A_368 = tpu.memref_slice %arg3[%add3A_366, %dma_start3A_367] : memref<131072x512xf32, #tpu.memory_space<hbm>> -> memref<32x512xf32, #tpu.memory_space<hbm>>
          %dma_start3A_369 = arith.constant 0 : i32
          %dma_start3A_370 = tpu.memref_slice %arg3[%add3A_366, %dma_start3A_369] : memref<131072x512xf32, #tpu.memory_space<hbm>> -> memref<32x512xf32, #tpu.memory_space<hbm>>
          tpu.enqueue_dma source(%dma_start3A_370 : memref<32x512xf32, #tpu.memory_space<hbm>>) target(%arg22 : memref<32x512xf32, #tpu.memory_space<vmem>>) target_semaphore(%arg26 : memref<!tpu.dma_semaphore, #tpu.memory_space<semaphore_mem>>)
        } else {
        }
        %dma_wait3A_353 = arith.constant 0 : i32
        %dma_wait3A_354 = tpu.memref_slice %arg3[%mul3A_2, %dma_wait3A_353] : memref<131072x512xf32, #tpu.memory_space<hbm>> -> memref<32x512xf32, #tpu.memory_space<hbm>>
        %dma_wait3A_355 = arith.constant 0 : i32
        %dma_wait3A_356 = tpu.memref_slice %arg3[%mul3A_2, %dma_wait3A_355] : memref<131072x512xf32, #tpu.memory_space<hbm>> -> memref<32x512xf32, #tpu.memory_space<hbm>>
        tpu.wait_dma2 semaphore(%arg24 : memref<!tpu.dma_semaphore, #tpu.memory_space<semaphore_mem>>) src(%dma_wait3A_356 : memref<32x512xf32, #tpu.memory_space<hbm>>) dst(%arg20 : memref<32x512xf32, #tpu.memory_space<vmem>>)
        %mul3A_357 = arith.constant 32 : i32
        %mul3A_358 = arith.muli %scan3A_108, %mul3A_357 : i32
        %add3A_359 = arith.addi %mul3A_2, %mul3A_358 : i32
        %dma_start3A_360 = arith.constant 0 : i32
        %dma_start3A_361 = tpu.memref_slice %arg6[%add3A_359, %dma_start3A_360] : memref<131072x512xf32, #tpu.memory_space<hbm>> -> memref<32x512xf32, #tpu.memory_space<hbm>>
        %dma_start3A_362 = arith.constant 0 : i32
        %dma_start3A_363 = tpu.memref_slice %arg6[%add3A_359, %dma_start3A_362] : memref<131072x512xf32, #tpu.memory_space<hbm>> -> memref<32x512xf32, #tpu.memory_space<hbm>>
        tpu.enqueue_dma source(%arg20 : memref<32x512xf32, #tpu.memory_space<vmem>>) target(%dma_start3A_363 : memref<32x512xf32, #tpu.memory_space<hbm>>) target_semaphore(%arg28 : memref<!tpu.dma_semaphore, #tpu.memory_space<semaphore_mem>>)
      } else {
      }
      %jit3A_131 = arith.constant 4 : i32
      %eq3A_132 = arith.constant 0 : i32
      %eq3A_133 = arith.cmpi eq, %jit3A_131, %eq3A_132 : i32
      %jit3A_134 = arith.constant 1 : i32
      %select_n3A_135 = arith.select %eq3A_133, %jit3A_134, %jit3A_131 : i32
      %rem3A_136 = arith.remsi %scan3A_108, %select_n3A_135 : i32
      %ne3A_137 = arith.constant 0 : i32
      %ne3A_138 = arith.cmpi ne, %rem3A_136, %ne3A_137 : i32
      %lt3A_139 = arith.constant 0 : i32
      %lt3A_140 = arith.cmpi slt, %rem3A_136, %lt3A_139 : i32
      %lt3A_141 = arith.constant 0 : i32
      %lt3A_142 = arith.cmpi slt, %select_n3A_135, %lt3A_141 : i32
      %ne3A_143 = arith.xori %lt3A_140, %lt3A_142 : i1
      %and3A_144 = arith.andi %ne3A_143, %ne3A_138 : i1
      %add3A_145 = arith.addi %rem3A_136, %select_n3A_135 : i32
      %select_n3A_146 = arith.select %and3A_144, %add3A_145, %rem3A_136 : i32
      %eq3A_147 = arith.constant 1 : i32
      %eq3A_148 = arith.cmpi eq, %select_n3A_146, %eq3A_147 : i32
      %convert_element_type3A_149 = arith.extui %eq3A_148 : i1 to i32
      %cond3A_150 = arith.constant 0 : i32
      %cond3A_151 = arith.cmpi ne, %convert_element_type3A_149, %cond3A_150 : i32
      scf.if %cond3A_151 {
        %lt3A_341 = arith.constant 128 : i32
        %lt3A_342 = arith.cmpi slt, %add3A_111, %lt3A_341 : i32
        %ge3A = arith.constant 2 : i32
        %ge3A_343 = arith.cmpi sge, %scan3A_108, %ge3A : i32
        %and3A_344 = arith.andi %lt3A_342, %ge3A_343 : i1
        %convert_element_type3A_345 = arith.extui %and3A_344 : i1 to i32
        %cond3A_346 = arith.constant 0 : i32
        %cond3A_347 = arith.cmpi ne, %convert_element_type3A_345, %cond3A_346 : i32
        scf.if %cond3A_347 {
          %dma_wait3A_364 = arith.constant 0 : i32
          %dma_wait3A_365 = tpu.memref_slice %arg6[%mul3A_2, %dma_wait3A_364] : memref<131072x512xf32, #tpu.memory_space<hbm>> -> memref<32x512xf32, #tpu.memory_space<hbm>>
          %dma_wait3A_366 = arith.constant 0 : i32
          %dma_wait3A_367 = tpu.memref_slice %arg6[%mul3A_2, %dma_wait3A_366] : memref<131072x512xf32, #tpu.memory_space<hbm>> -> memref<32x512xf32, #tpu.memory_space<hbm>>
          tpu.wait_dma2 semaphore(%arg31 : memref<!tpu.dma_semaphore, #tpu.memory_space<semaphore_mem>>) src(%arg23 : memref<32x512xf32, #tpu.memory_space<vmem>>) dst(%dma_wait3A_367 : memref<32x512xf32, #tpu.memory_space<hbm>>)
        } else {
        }
        %lt3A_348 = arith.constant 128 : i32
        %lt3A_349 = arith.cmpi slt, %add3A_111, %lt3A_348 : i32
        %convert_element_type3A_350 = arith.extui %lt3A_349 : i1 to i32
        %cond3A_351 = arith.constant 0 : i32
        %cond3A_352 = arith.cmpi ne, %convert_element_type3A_350, %cond3A_351 : i32
        scf.if %cond3A_352 {
          %mul3A_364 = arith.constant 32 : i32
          %mul3A_365 = arith.muli %add3A_111, %mul3A_364 : i32
          %add3A_366 = arith.addi %mul3A_2, %mul3A_365 : i32
          %dma_start3A_367 = arith.constant 0 : i32
          %dma_start3A_368 = tpu.memref_slice %arg3[%add3A_366, %dma_start3A_367] : memref<131072x512xf32, #tpu.memory_space<hbm>> -> memref<32x512xf32, #tpu.memory_space<hbm>>
          %dma_start3A_369 = arith.constant 0 : i32
          %dma_start3A_370 = tpu.memref_slice %arg3[%add3A_366, %dma_start3A_369] : memref<131072x512xf32, #tpu.memory_space<hbm>> -> memref<32x512xf32, #tpu.memory_space<hbm>>
          tpu.enqueue_dma source(%dma_start3A_370 : memref<32x512xf32, #tpu.memory_space<hbm>>) target(%arg23 : memref<32x512xf32, #tpu.memory_space<vmem>>) target_semaphore(%arg27 : memref<!tpu.dma_semaphore, #tpu.memory_space<semaphore_mem>>)
        } else {
        }
        %dma_wait3A_353 = arith.constant 0 : i32
        %dma_wait3A_354 = tpu.memref_slice %arg3[%mul3A_2, %dma_wait3A_353] : memref<131072x512xf32, #tpu.memory_space<hbm>> -> memref<32x512xf32, #tpu.memory_space<hbm>>
        %dma_wait3A_355 = arith.constant 0 : i32
        %dma_wait3A_356 = tpu.memref_slice %arg3[%mul3A_2, %dma_wait3A_355] : memref<131072x512xf32, #tpu.memory_space<hbm>> -> memref<32x512xf32, #tpu.memory_space<hbm>>
        tpu.wait_dma2 semaphore(%arg25 : memref<!tpu.dma_semaphore, #tpu.memory_space<semaphore_mem>>) src(%dma_wait3A_356 : memref<32x512xf32, #tpu.memory_space<hbm>>) dst(%arg21 : memref<32x512xf32, #tpu.memory_space<vmem>>)
        %mul3A_357 = arith.constant 32 : i32
        %mul3A_358 = arith.muli %scan3A_108, %mul3A_357 : i32
        %add3A_359 = arith.addi %mul3A_2, %mul3A_358 : i32
        %dma_start3A_360 = arith.constant 0 : i32
        %dma_start3A_361 = tpu.memref_slice %arg6[%add3A_359, %dma_start3A_360] : memref<131072x512xf32, #tpu.memory_space<hbm>> -> memref<32x512xf32, #tpu.memory_space<hbm>>
        %dma_start3A_362 = arith.constant 0 : i32
        %dma_start3A_363 = tpu.memref_slice %arg6[%add3A_359, %dma_start3A_362] : memref<131072x512xf32, #tpu.memory_space<hbm>> -> memref<32x512xf32, #tpu.memory_space<hbm>>
        tpu.enqueue_dma source(%arg21 : memref<32x512xf32, #tpu.memory_space<vmem>>) target(%dma_start3A_363 : memref<32x512xf32, #tpu.memory_space<hbm>>) target_semaphore(%arg29 : memref<!tpu.dma_semaphore, #tpu.memory_space<semaphore_mem>>)
      } else {
      }
      %jit3A_152 = arith.constant 4 : i32
      %eq3A_153 = arith.constant 0 : i32
      %eq3A_154 = arith.cmpi eq, %jit3A_152, %eq3A_153 : i32
      %jit3A_155 = arith.constant 1 : i32
      %select_n3A_156 = arith.select %eq3A_154, %jit3A_155, %jit3A_152 : i32
      %rem3A_157 = arith.remsi %scan3A_108, %select_n3A_156 : i32
      %ne3A_158 = arith.constant 0 : i32
      %ne3A_159 = arith.cmpi ne, %rem3A_157, %ne3A_158 : i32
      %lt3A_160 = arith.constant 0 : i32
      %lt3A_161 = arith.cmpi slt, %rem3A_157, %lt3A_160 : i32
      %lt3A_162 = arith.constant 0 : i32
      %lt3A_163 = arith.cmpi slt, %select_n3A_156, %lt3A_162 : i32
      %ne3A_164 = arith.xori %lt3A_161, %lt3A_163 : i1
      %and3A_165 = arith.andi %ne3A_164, %ne3A_159 : i1
      %add3A_166 = arith.addi %rem3A_157, %select_n3A_156 : i32
      %select_n3A_167 = arith.select %and3A_165, %add3A_166, %rem3A_157 : i32
      %eq3A_168 = arith.constant 2 : i32
      %eq3A_169 = arith.cmpi eq, %select_n3A_167, %eq3A_168 : i32
      %convert_element_type3A_170 = arith.extui %eq3A_169 : i1 to i32
      %cond3A_171 = arith.constant 0 : i32
      %cond3A_172 = arith.cmpi ne, %convert_element_type3A_170, %cond3A_171 : i32
      scf.if %cond3A_172 {
        %lt3A_341 = arith.constant 128 : i32
        %lt3A_342 = arith.cmpi slt, %add3A_111, %lt3A_341 : i32
        %ge3A = arith.constant 2 : i32
        %ge3A_343 = arith.cmpi sge, %scan3A_108, %ge3A : i32
        %and3A_344 = arith.andi %lt3A_342, %ge3A_343 : i1
        %convert_element_type3A_345 = arith.extui %and3A_344 : i1 to i32
        %cond3A_346 = arith.constant 0 : i32
        %cond3A_347 = arith.cmpi ne, %convert_element_type3A_345, %cond3A_346 : i32
        scf.if %cond3A_347 {
          %dma_wait3A_364 = arith.constant 0 : i32
          %dma_wait3A_365 = tpu.memref_slice %arg6[%mul3A_2, %dma_wait3A_364] : memref<131072x512xf32, #tpu.memory_space<hbm>> -> memref<32x512xf32, #tpu.memory_space<hbm>>
          %dma_wait3A_366 = arith.constant 0 : i32
          %dma_wait3A_367 = tpu.memref_slice %arg6[%mul3A_2, %dma_wait3A_366] : memref<131072x512xf32, #tpu.memory_space<hbm>> -> memref<32x512xf32, #tpu.memory_space<hbm>>
          tpu.wait_dma2 semaphore(%arg28 : memref<!tpu.dma_semaphore, #tpu.memory_space<semaphore_mem>>) src(%arg20 : memref<32x512xf32, #tpu.memory_space<vmem>>) dst(%dma_wait3A_367 : memref<32x512xf32, #tpu.memory_space<hbm>>)
        } else {
        }
        %lt3A_348 = arith.constant 128 : i32
        %lt3A_349 = arith.cmpi slt, %add3A_111, %lt3A_348 : i32
        %convert_element_type3A_350 = arith.extui %lt3A_349 : i1 to i32
        %cond3A_351 = arith.constant 0 : i32
        %cond3A_352 = arith.cmpi ne, %convert_element_type3A_350, %cond3A_351 : i32
        scf.if %cond3A_352 {
          %mul3A_364 = arith.constant 32 : i32
          %mul3A_365 = arith.muli %add3A_111, %mul3A_364 : i32
          %add3A_366 = arith.addi %mul3A_2, %mul3A_365 : i32
          %dma_start3A_367 = arith.constant 0 : i32
          %dma_start3A_368 = tpu.memref_slice %arg3[%add3A_366, %dma_start3A_367] : memref<131072x512xf32, #tpu.memory_space<hbm>> -> memref<32x512xf32, #tpu.memory_space<hbm>>
          %dma_start3A_369 = arith.constant 0 : i32
          %dma_start3A_370 = tpu.memref_slice %arg3[%add3A_366, %dma_start3A_369] : memref<131072x512xf32, #tpu.memory_space<hbm>> -> memref<32x512xf32, #tpu.memory_space<hbm>>
          tpu.enqueue_dma source(%dma_start3A_370 : memref<32x512xf32, #tpu.memory_space<hbm>>) target(%arg20 : memref<32x512xf32, #tpu.memory_space<vmem>>) target_semaphore(%arg24 : memref<!tpu.dma_semaphore, #tpu.memory_space<semaphore_mem>>)
        } else {
        }
        %dma_wait3A_353 = arith.constant 0 : i32
        %dma_wait3A_354 = tpu.memref_slice %arg3[%mul3A_2, %dma_wait3A_353] : memref<131072x512xf32, #tpu.memory_space<hbm>> -> memref<32x512xf32, #tpu.memory_space<hbm>>
        %dma_wait3A_355 = arith.constant 0 : i32
        %dma_wait3A_356 = tpu.memref_slice %arg3[%mul3A_2, %dma_wait3A_355] : memref<131072x512xf32, #tpu.memory_space<hbm>> -> memref<32x512xf32, #tpu.memory_space<hbm>>
        tpu.wait_dma2 semaphore(%arg26 : memref<!tpu.dma_semaphore, #tpu.memory_space<semaphore_mem>>) src(%dma_wait3A_356 : memref<32x512xf32, #tpu.memory_space<hbm>>) dst(%arg22 : memref<32x512xf32, #tpu.memory_space<vmem>>)
        %mul3A_357 = arith.constant 32 : i32
        %mul3A_358 = arith.muli %scan3A_108, %mul3A_357 : i32
        %add3A_359 = arith.addi %mul3A_2, %mul3A_358 : i32
        %dma_start3A_360 = arith.constant 0 : i32
        %dma_start3A_361 = tpu.memref_slice %arg6[%add3A_359, %dma_start3A_360] : memref<131072x512xf32, #tpu.memory_space<hbm>> -> memref<32x512xf32, #tpu.memory_space<hbm>>
        %dma_start3A_362 = arith.constant 0 : i32
        %dma_start3A_363 = tpu.memref_slice %arg6[%add3A_359, %dma_start3A_362] : memref<131072x512xf32, #tpu.memory_space<hbm>> -> memref<32x512xf32, #tpu.memory_space<hbm>>
        tpu.enqueue_dma source(%arg22 : memref<32x512xf32, #tpu.memory_space<vmem>>) target(%dma_start3A_363 : memref<32x512xf32, #tpu.memory_space<hbm>>) target_semaphore(%arg30 : memref<!tpu.dma_semaphore, #tpu.memory_space<semaphore_mem>>)
      } else {
      }
      %jit3A_173 = arith.constant 4 : i32
      %eq3A_174 = arith.constant 0 : i32
      %eq3A_175 = arith.cmpi eq, %jit3A_173, %eq3A_174 : i32
      %jit3A_176 = arith.constant 1 : i32
      %select_n3A_177 = arith.select %eq3A_175, %jit3A_176, %jit3A_173 : i32
      %rem3A_178 = arith.remsi %scan3A_108, %select_n3A_177 : i32
      %ne3A_179 = arith.constant 0 : i32
      %ne3A_180 = arith.cmpi ne, %rem3A_178, %ne3A_179 : i32
      %lt3A_181 = arith.constant 0 : i32
      %lt3A_182 = arith.cmpi slt, %rem3A_178, %lt3A_181 : i32
      %lt3A_183 = arith.constant 0 : i32
      %lt3A_184 = arith.cmpi slt, %select_n3A_177, %lt3A_183 : i32
      %ne3A_185 = arith.xori %lt3A_182, %lt3A_184 : i1
      %and3A_186 = arith.andi %ne3A_185, %ne3A_180 : i1
      %add3A_187 = arith.addi %rem3A_178, %select_n3A_177 : i32
      %select_n3A_188 = arith.select %and3A_186, %add3A_187, %rem3A_178 : i32
      %eq3A_189 = arith.constant 3 : i32
      %eq3A_190 = arith.cmpi eq, %select_n3A_188, %eq3A_189 : i32
      %convert_element_type3A_191 = arith.extui %eq3A_190 : i1 to i32
      %cond3A_192 = arith.constant 0 : i32
      %cond3A_193 = arith.cmpi ne, %convert_element_type3A_191, %cond3A_192 : i32
      scf.if %cond3A_193 {
        %lt3A_341 = arith.constant 128 : i32
        %lt3A_342 = arith.cmpi slt, %add3A_111, %lt3A_341 : i32
        %ge3A = arith.constant 2 : i32
        %ge3A_343 = arith.cmpi sge, %scan3A_108, %ge3A : i32
        %and3A_344 = arith.andi %lt3A_342, %ge3A_343 : i1
        %convert_element_type3A_345 = arith.extui %and3A_344 : i1 to i32
        %cond3A_346 = arith.constant 0 : i32
        %cond3A_347 = arith.cmpi ne, %convert_element_type3A_345, %cond3A_346 : i32
        scf.if %cond3A_347 {
          %dma_wait3A_364 = arith.constant 0 : i32
          %dma_wait3A_365 = tpu.memref_slice %arg6[%mul3A_2, %dma_wait3A_364] : memref<131072x512xf32, #tpu.memory_space<hbm>> -> memref<32x512xf32, #tpu.memory_space<hbm>>
          %dma_wait3A_366 = arith.constant 0 : i32
          %dma_wait3A_367 = tpu.memref_slice %arg6[%mul3A_2, %dma_wait3A_366] : memref<131072x512xf32, #tpu.memory_space<hbm>> -> memref<32x512xf32, #tpu.memory_space<hbm>>
          tpu.wait_dma2 semaphore(%arg29 : memref<!tpu.dma_semaphore, #tpu.memory_space<semaphore_mem>>) src(%arg21 : memref<32x512xf32, #tpu.memory_space<vmem>>) dst(%dma_wait3A_367 : memref<32x512xf32, #tpu.memory_space<hbm>>)
        } else {
        }
        %lt3A_348 = arith.constant 128 : i32
        %lt3A_349 = arith.cmpi slt, %add3A_111, %lt3A_348 : i32
        %convert_element_type3A_350 = arith.extui %lt3A_349 : i1 to i32
        %cond3A_351 = arith.constant 0 : i32
        %cond3A_352 = arith.cmpi ne, %convert_element_type3A_350, %cond3A_351 : i32
        scf.if %cond3A_352 {
          %mul3A_364 = arith.constant 32 : i32
          %mul3A_365 = arith.muli %add3A_111, %mul3A_364 : i32
          %add3A_366 = arith.addi %mul3A_2, %mul3A_365 : i32
          %dma_start3A_367 = arith.constant 0 : i32
          %dma_start3A_368 = tpu.memref_slice %arg3[%add3A_366, %dma_start3A_367] : memref<131072x512xf32, #tpu.memory_space<hbm>> -> memref<32x512xf32, #tpu.memory_space<hbm>>
          %dma_start3A_369 = arith.constant 0 : i32
          %dma_start3A_370 = tpu.memref_slice %arg3[%add3A_366, %dma_start3A_369] : memref<131072x512xf32, #tpu.memory_space<hbm>> -> memref<32x512xf32, #tpu.memory_space<hbm>>
          tpu.enqueue_dma source(%dma_start3A_370 : memref<32x512xf32, #tpu.memory_space<hbm>>) target(%arg21 : memref<32x512xf32, #tpu.memory_space<vmem>>) target_semaphore(%arg25 : memref<!tpu.dma_semaphore, #tpu.memory_space<semaphore_mem>>)
        } else {
        }
        %dma_wait3A_353 = arith.constant 0 : i32
        %dma_wait3A_354 = tpu.memref_slice %arg3[%mul3A_2, %dma_wait3A_353] : memref<131072x512xf32, #tpu.memory_space<hbm>> -> memref<32x512xf32, #tpu.memory_space<hbm>>
        %dma_wait3A_355 = arith.constant 0 : i32
        %dma_wait3A_356 = tpu.memref_slice %arg3[%mul3A_2, %dma_wait3A_355] : memref<131072x512xf32, #tpu.memory_space<hbm>> -> memref<32x512xf32, #tpu.memory_space<hbm>>
        tpu.wait_dma2 semaphore(%arg27 : memref<!tpu.dma_semaphore, #tpu.memory_space<semaphore_mem>>) src(%dma_wait3A_356 : memref<32x512xf32, #tpu.memory_space<hbm>>) dst(%arg23 : memref<32x512xf32, #tpu.memory_space<vmem>>)
        %mul3A_357 = arith.constant 32 : i32
        %mul3A_358 = arith.muli %scan3A_108, %mul3A_357 : i32
        %add3A_359 = arith.addi %mul3A_2, %mul3A_358 : i32
        %dma_start3A_360 = arith.constant 0 : i32
        %dma_start3A_361 = tpu.memref_slice %arg6[%add3A_359, %dma_start3A_360] : memref<131072x512xf32, #tpu.memory_space<hbm>> -> memref<32x512xf32, #tpu.memory_space<hbm>>
        %dma_start3A_362 = arith.constant 0 : i32
        %dma_start3A_363 = tpu.memref_slice %arg6[%add3A_359, %dma_start3A_362] : memref<131072x512xf32, #tpu.memory_space<hbm>> -> memref<32x512xf32, #tpu.memory_space<hbm>>
        tpu.enqueue_dma source(%arg23 : memref<32x512xf32, #tpu.memory_space<vmem>>) target(%dma_start3A_363 : memref<32x512xf32, #tpu.memory_space<hbm>>) target_semaphore(%arg31 : memref<!tpu.dma_semaphore, #tpu.memory_space<semaphore_mem>>)
      } else {
      }
      %jit3A_194 = arith.constant 16 : i32
      %div3A_195 = arith.divsi %scan3A_108, %jit3A_194 : i32
      %sign3A_196 = arith.constant 0 : i32
      %sign3A_197 = arith.cmpi sgt, %scan3A_108, %sign3A_196 : i32
      %sign3A_198 = arith.extui %sign3A_197 : i1 to i32
      %sign3A_199 = arith.constant 0 : i32
      %sign3A_200 = arith.cmpi slt, %scan3A_108, %sign3A_199 : i32
      %sign3A_201 = arith.extui %sign3A_200 : i1 to i32
      %sign3A_202 = arith.subi %sign3A_198, %sign3A_201 : i32
      %sign3A_203 = arith.constant 0 : i32
      %sign3A_204 = arith.cmpi sgt, %jit3A_194, %sign3A_203 : i32
      %sign3A_205 = arith.extui %sign3A_204 : i1 to i32
      %sign3A_206 = arith.constant 0 : i32
      %sign3A_207 = arith.cmpi slt, %jit3A_194, %sign3A_206 : i32
      %sign3A_208 = arith.extui %sign3A_207 : i1 to i32
      %sign3A_209 = arith.subi %sign3A_205, %sign3A_208 : i32
      %ne3A_210 = arith.cmpi ne, %sign3A_202, %sign3A_209 : i32
      %rem3A_211 = arith.remsi %scan3A_108, %jit3A_194 : i32
      %ne3A_212 = arith.constant 0 : i32
      %ne3A_213 = arith.cmpi ne, %rem3A_211, %ne3A_212 : i32
      %and3A_214 = arith.andi %ne3A_210, %ne3A_213 : i1
      %sub3A_215 = arith.constant 1 : i32
      %sub3A_216 = arith.subi %div3A_195, %sub3A_215 : i32
      %select_n3A_217 = arith.select %and3A_214, %sub3A_216, %div3A_195 : i32
      %jit3A_218 = arith.constant 16 : i32
      %eq3A_219 = arith.constant 0 : i32
      %eq3A_220 = arith.cmpi eq, %jit3A_218, %eq3A_219 : i32
      %jit3A_221 = arith.constant 1 : i32
      %select_n3A_222 = arith.select %eq3A_220, %jit3A_221, %jit3A_218 : i32
      %rem3A_223 = arith.remsi %scan3A_108, %select_n3A_222 : i32
      %ne3A_224 = arith.constant 0 : i32
      %ne3A_225 = arith.cmpi ne, %rem3A_223, %ne3A_224 : i32
      %lt3A_226 = arith.constant 0 : i32
      %lt3A_227 = arith.cmpi slt, %rem3A_223, %lt3A_226 : i32
      %lt3A_228 = arith.constant 0 : i32
      %lt3A_229 = arith.cmpi slt, %select_n3A_222, %lt3A_228 : i32
      %ne3A_230 = arith.xori %lt3A_227, %lt3A_229 : i1
      %and3A_231 = arith.andi %ne3A_230, %ne3A_225 : i1
      %add3A_232 = arith.addi %rem3A_223, %select_n3A_222 : i32
      %select_n3A_233 = arith.select %and3A_231, %add3A_232, %rem3A_223 : i32
      %eq3A_234 = arith.constant 0 : i32
      %eq3A_235 = arith.cmpi eq, %select_n3A_233, %eq3A_234 : i32
      %jit3A_236 = arith.constant 2 : i32
      %eq3A_237 = arith.constant 0 : i32
      %eq3A_238 = arith.cmpi eq, %jit3A_236, %eq3A_237 : i32
      %jit3A_239 = arith.constant 1 : i32
      %select_n3A_240 = arith.select %eq3A_238, %jit3A_239, %jit3A_236 : i32
      %rem3A_241 = arith.remsi %select_n3A_217, %select_n3A_240 : i32
      %ne3A_242 = arith.constant 0 : i32
      %ne3A_243 = arith.cmpi ne, %rem3A_241, %ne3A_242 : i32
      %lt3A_244 = arith.constant 0 : i32
      %lt3A_245 = arith.cmpi slt, %rem3A_241, %lt3A_244 : i32
      %lt3A_246 = arith.constant 0 : i32
      %lt3A_247 = arith.cmpi slt, %select_n3A_240, %lt3A_246 : i32
      %ne3A_248 = arith.xori %lt3A_245, %lt3A_247 : i1
      %and3A_249 = arith.andi %ne3A_248, %ne3A_243 : i1
      %add3A_250 = arith.addi %rem3A_241, %select_n3A_240 : i32
      %select_n3A_251 = arith.select %and3A_249, %add3A_250, %rem3A_241 : i32
      %eq3A_252 = arith.constant 0 : i32
      %eq3A_253 = arith.cmpi eq, %select_n3A_251, %eq3A_252 : i32
      %and3A_254 = arith.andi %eq3A_235, %eq3A_253 : i1
      %convert_element_type3A_255 = arith.extui %and3A_254 : i1 to i32
      %cond3A_256 = arith.constant 0 : i32
      %cond3A_257 = arith.cmpi ne, %convert_element_type3A_255, %cond3A_256 : i32
      scf.if %cond3A_257 {
        %dma_wait3A_341 = arith.constant 0 : i32
        %dma_wait3A_342 = tpu.memref_slice %arg4[%dma_wait3A_341] : memref<16384xi32, #tpu.memory_space<hbm>> -> memref<2048xi32, #tpu.memory_space<hbm>>
        %dma_wait3A_343 = arith.constant 0 : i32
        %dma_wait3A_344 = tpu.memref_slice %arg4[%dma_wait3A_343] : memref<16384xi32, #tpu.memory_space<hbm>> -> memref<2048xi32, #tpu.memory_space<hbm>>
        tpu.wait_dma2 semaphore(%arg32 : memref<!tpu.dma_semaphore, #tpu.memory_space<semaphore_mem>>) src(%dma_wait3A_344 : memref<2048xi32, #tpu.memory_space<hbm>>) dst(%arg7 : memref<2048xi32, #tpu.memory_space<vmem>>)
        %dma_wait3A_345 = arith.constant 0 : i32
        %dma_wait3A_346 = tpu.memref_slice %arg4[%dma_wait3A_345] : memref<16384xi32, #tpu.memory_space<hbm>> -> memref<2048xi32, #tpu.memory_space<hbm>>
        %dma_wait3A_347 = arith.constant 0 : i32
        %dma_wait3A_348 = tpu.memref_slice %arg4[%dma_wait3A_347] : memref<16384xi32, #tpu.memory_space<hbm>> -> memref<2048xi32, #tpu.memory_space<hbm>>
        tpu.wait_dma2 semaphore(%arg34 : memref<!tpu.dma_semaphore, #tpu.memory_space<semaphore_mem>>) src(%dma_wait3A_348 : memref<2048xi32, #tpu.memory_space<hbm>>) dst(%arg9 : memref<2048xi32, #tpu.memory_space<vmem>>)
        %add3A_349 = arith.constant 1 : i32
        %add3A_350 = arith.addi %select_n3A_217, %add3A_349 : i32
        %lt3A_351 = arith.constant 8 : i32
        %lt3A_352 = arith.cmpi slt, %add3A_350, %lt3A_351 : i32
        %convert_element_type3A_353 = arith.extui %lt3A_352 : i1 to i32
        %cond3A_354 = arith.constant 0 : i32
        %cond3A_355 = arith.cmpi ne, %convert_element_type3A_353, %cond3A_354 : i32
        scf.if %cond3A_355 {
          %add3A_356 = arith.constant 1 : i32
          %add3A_357 = arith.addi %select_n3A_217, %add3A_356 : i32
          %mul3A_358 = arith.constant 2048 : i32
          %mul3A_359 = arith.muli %add3A_357, %mul3A_358 : i32
          %dma_start3A_360 = tpu.memref_slice %arg4[%mul3A_359] : memref<16384xi32, #tpu.memory_space<hbm>> -> memref<2048xi32, #tpu.memory_space<hbm>>
          %dma_start3A_361 = tpu.memref_slice %arg4[%mul3A_359] : memref<16384xi32, #tpu.memory_space<hbm>> -> memref<2048xi32, #tpu.memory_space<hbm>>
          tpu.enqueue_dma source(%dma_start3A_361 : memref<2048xi32, #tpu.memory_space<hbm>>) target(%arg8 : memref<2048xi32, #tpu.memory_space<vmem>>) target_semaphore(%arg33 : memref<!tpu.dma_semaphore, #tpu.memory_space<semaphore_mem>>)
          %add3A_362 = arith.constant 1 : i32
          %add3A_363 = arith.addi %select_n3A_217, %add3A_362 : i32
          %mul3A_364 = arith.constant 2048 : i32
          %mul3A_365 = arith.muli %add3A_363, %mul3A_364 : i32
          %dma_start3A_366 = tpu.memref_slice %arg5[%mul3A_365] : memref<16384xi32, #tpu.memory_space<hbm>> -> memref<2048xi32, #tpu.memory_space<hbm>>
          %dma_start3A_367 = tpu.memref_slice %arg5[%mul3A_365] : memref<16384xi32, #tpu.memory_space<hbm>> -> memref<2048xi32, #tpu.memory_space<hbm>>
          tpu.enqueue_dma source(%dma_start3A_367 : memref<2048xi32, #tpu.memory_space<hbm>>) target(%arg10 : memref<2048xi32, #tpu.memory_space<vmem>>) target_semaphore(%arg35 : memref<!tpu.dma_semaphore, #tpu.memory_space<semaphore_mem>>)
        } else {
        }
      } else {
      }
      %jit3A_258 = arith.constant 16 : i32
      %eq3A_259 = arith.constant 0 : i32
      %eq3A_260 = arith.cmpi eq, %jit3A_258, %eq3A_259 : i32
      %jit3A_261 = arith.constant 1 : i32
      %select_n3A_262 = arith.select %eq3A_260, %jit3A_261, %jit3A_258 : i32
      %rem3A_263 = arith.remsi %scan3A_108, %select_n3A_262 : i32
      %ne3A_264 = arith.constant 0 : i32
      %ne3A_265 = arith.cmpi ne, %rem3A_263, %ne3A_264 : i32
      %lt3A_266 = arith.constant 0 : i32
      %lt3A_267 = arith.cmpi slt, %rem3A_263, %lt3A_266 : i32
      %lt3A_268 = arith.constant 0 : i32
      %lt3A_269 = arith.cmpi slt, %select_n3A_262, %lt3A_268 : i32
      %ne3A_270 = arith.xori %lt3A_267, %lt3A_269 : i1
      %and3A_271 = arith.andi %ne3A_270, %ne3A_265 : i1
      %add3A_272 = arith.addi %rem3A_263, %select_n3A_262 : i32
      %select_n3A_273 = arith.select %and3A_271, %add3A_272, %rem3A_263 : i32
      %eq3A_274 = arith.constant 0 : i32
      %eq3A_275 = arith.cmpi eq, %select_n3A_273, %eq3A_274 : i32
      %jit3A_276 = arith.constant 2 : i32
      %eq3A_277 = arith.constant 0 : i32
      %eq3A_278 = arith.cmpi eq, %jit3A_276, %eq3A_277 : i32
      %jit3A_279 = arith.constant 1 : i32
      %select_n3A_280 = arith.select %eq3A_278, %jit3A_279, %jit3A_276 : i32
      %rem3A_281 = arith.remsi %select_n3A_217, %select_n3A_280 : i32
      %ne3A_282 = arith.constant 0 : i32
      %ne3A_283 = arith.cmpi ne, %rem3A_281, %ne3A_282 : i32
      %lt3A_284 = arith.constant 0 : i32
      %lt3A_285 = arith.cmpi slt, %rem3A_281, %lt3A_284 : i32
      %lt3A_286 = arith.constant 0 : i32
      %lt3A_287 = arith.cmpi slt, %select_n3A_280, %lt3A_286 : i32
      %ne3A_288 = arith.xori %lt3A_285, %lt3A_287 : i1
      %and3A_289 = arith.andi %ne3A_288, %ne3A_283 : i1
      %add3A_290 = arith.addi %rem3A_281, %select_n3A_280 : i32
      %select_n3A_291 = arith.select %and3A_289, %add3A_290, %rem3A_281 : i32
      %eq3A_292 = arith.constant 1 : i32
      %eq3A_293 = arith.cmpi eq, %select_n3A_291, %eq3A_292 : i32
      %and3A_294 = arith.andi %eq3A_275, %eq3A_293 : i1
      %convert_element_type3A_295 = arith.extui %and3A_294 : i1 to i32
      %cond3A_296 = arith.constant 0 : i32
      %cond3A_297 = arith.cmpi ne, %convert_element_type3A_295, %cond3A_296 : i32
      scf.if %cond3A_297 {
        %dma_wait3A_341 = arith.constant 0 : i32
        %dma_wait3A_342 = tpu.memref_slice %arg4[%dma_wait3A_341] : memref<16384xi32, #tpu.memory_space<hbm>> -> memref<2048xi32, #tpu.memory_space<hbm>>
        %dma_wait3A_343 = arith.constant 0 : i32
        %dma_wait3A_344 = tpu.memref_slice %arg4[%dma_wait3A_343] : memref<16384xi32, #tpu.memory_space<hbm>> -> memref<2048xi32, #tpu.memory_space<hbm>>
        tpu.wait_dma2 semaphore(%arg33 : memref<!tpu.dma_semaphore, #tpu.memory_space<semaphore_mem>>) src(%dma_wait3A_344 : memref<2048xi32, #tpu.memory_space<hbm>>) dst(%arg8 : memref<2048xi32, #tpu.memory_space<vmem>>)
        %dma_wait3A_345 = arith.constant 0 : i32
        %dma_wait3A_346 = tpu.memref_slice %arg4[%dma_wait3A_345] : memref<16384xi32, #tpu.memory_space<hbm>> -> memref<2048xi32, #tpu.memory_space<hbm>>
        %dma_wait3A_347 = arith.constant 0 : i32
        %dma_wait3A_348 = tpu.memref_slice %arg4[%dma_wait3A_347] : memref<16384xi32, #tpu.memory_space<hbm>> -> memref<2048xi32, #tpu.memory_space<hbm>>
        tpu.wait_dma2 semaphore(%arg35 : memref<!tpu.dma_semaphore, #tpu.memory_space<semaphore_mem>>) src(%dma_wait3A_348 : memref<2048xi32, #tpu.memory_space<hbm>>) dst(%arg10 : memref<2048xi32, #tpu.memory_space<vmem>>)
        %add3A_349 = arith.constant 1 : i32
        %add3A_350 = arith.addi %select_n3A_217, %add3A_349 : i32
        %lt3A_351 = arith.constant 8 : i32
        %lt3A_352 = arith.cmpi slt, %add3A_350, %lt3A_351 : i32
        %convert_element_type3A_353 = arith.extui %lt3A_352 : i1 to i32
        %cond3A_354 = arith.constant 0 : i32
        %cond3A_355 = arith.cmpi ne, %convert_element_type3A_353, %cond3A_354 : i32
        scf.if %cond3A_355 {
          %add3A_356 = arith.constant 1 : i32
          %add3A_357 = arith.addi %select_n3A_217, %add3A_356 : i32
          %mul3A_358 = arith.constant 2048 : i32
          %mul3A_359 = arith.muli %add3A_357, %mul3A_358 : i32
          %dma_start3A_360 = tpu.memref_slice %arg4[%mul3A_359] : memref<16384xi32, #tpu.memory_space<hbm>> -> memref<2048xi32, #tpu.memory_space<hbm>>
          %dma_start3A_361 = tpu.memref_slice %arg4[%mul3A_359] : memref<16384xi32, #tpu.memory_space<hbm>> -> memref<2048xi32, #tpu.memory_space<hbm>>
          tpu.enqueue_dma source(%dma_start3A_361 : memref<2048xi32, #tpu.memory_space<hbm>>) target(%arg7 : memref<2048xi32, #tpu.memory_space<vmem>>) target_semaphore(%arg32 : memref<!tpu.dma_semaphore, #tpu.memory_space<semaphore_mem>>)
          %add3A_362 = arith.constant 1 : i32
          %add3A_363 = arith.addi %select_n3A_217, %add3A_362 : i32
          %mul3A_364 = arith.constant 2048 : i32
          %mul3A_365 = arith.muli %add3A_363, %mul3A_364 : i32
          %dma_start3A_366 = tpu.memref_slice %arg5[%mul3A_365] : memref<16384xi32, #tpu.memory_space<hbm>> -> memref<2048xi32, #tpu.memory_space<hbm>>
          %dma_start3A_367 = tpu.memref_slice %arg5[%mul3A_365] : memref<16384xi32, #tpu.memory_space<hbm>> -> memref<2048xi32, #tpu.memory_space<hbm>>
          tpu.enqueue_dma source(%dma_start3A_367 : memref<2048xi32, #tpu.memory_space<hbm>>) target(%arg9 : memref<2048xi32, #tpu.memory_space<vmem>>) target_semaphore(%arg34 : memref<!tpu.dma_semaphore, #tpu.memory_space<semaphore_mem>>)
        } else {
        }
      } else {
      }
      %jit3A_298 = arith.constant 2 : i32
      %eq3A_299 = arith.constant 0 : i32
      %eq3A_300 = arith.cmpi eq, %jit3A_298, %eq3A_299 : i32
      %jit3A_301 = arith.constant 1 : i32
      %select_n3A_302 = arith.select %eq3A_300, %jit3A_301, %jit3A_298 : i32
      %rem3A_303 = arith.remsi %select_n3A_217, %select_n3A_302 : i32
      %ne3A_304 = arith.constant 0 : i32
      %ne3A_305 = arith.cmpi ne, %rem3A_303, %ne3A_304 : i32
      %lt3A_306 = arith.constant 0 : i32
      %lt3A_307 = arith.cmpi slt, %rem3A_303, %lt3A_306 : i32
      %lt3A_308 = arith.constant 0 : i32
      %lt3A_309 = arith.cmpi slt, %select_n3A_302, %lt3A_308 : i32
      %ne3A_310 = arith.xori %lt3A_307, %lt3A_309 : i1
      %and3A_311 = arith.andi %ne3A_310, %ne3A_305 : i1
      %add3A_312 = arith.addi %rem3A_303, %select_n3A_302 : i32
      %select_n3A_313 = arith.select %and3A_311, %add3A_312, %rem3A_303 : i32
      %eq3A_314 = arith.constant 0 : i32
      %eq3A_315 = arith.cmpi eq, %select_n3A_313, %eq3A_314 : i32
      %convert_element_type3A_316 = arith.extui %eq3A_315 : i1 to i32
      %cond3A_317 = arith.constant 0 : i32
      %cond3A_318 = arith.cmpi ne, %convert_element_type3A_316, %cond3A_317 : i32
      scf.if %cond3A_318 {
        %jit3A_341 = arith.constant 16 : i32
        %div3A_342 = arith.divsi %scan3A_108, %jit3A_341 : i32
        %sign3A_343 = arith.constant 0 : i32
        %sign3A_344 = arith.cmpi sgt, %scan3A_108, %sign3A_343 : i32
        %sign3A_345 = arith.extui %sign3A_344 : i1 to i32
        %sign3A_346 = arith.constant 0 : i32
        %sign3A_347 = arith.cmpi slt, %scan3A_108, %sign3A_346 : i32
        %sign3A_348 = arith.extui %sign3A_347 : i1 to i32
        %sign3A_349 = arith.subi %sign3A_345, %sign3A_348 : i32
        %sign3A_350 = arith.constant 0 : i32
        %sign3A_351 = arith.cmpi sgt, %jit3A_341, %sign3A_350 : i32
        %sign3A_352 = arith.extui %sign3A_351 : i1 to i32
        %sign3A_353 = arith.constant 0 : i32
        %sign3A_354 = arith.cmpi slt, %jit3A_341, %sign3A_353 : i32
        %sign3A_355 = arith.extui %sign3A_354 : i1 to i32
        %sign3A_356 = arith.subi %sign3A_352, %sign3A_355 : i32
        %ne3A_357 = arith.cmpi ne, %sign3A_349, %sign3A_356 : i32
        %rem3A_358 = arith.remsi %scan3A_108, %jit3A_341 : i32
        %ne3A_359 = arith.constant 0 : i32
        %ne3A_360 = arith.cmpi ne, %rem3A_358, %ne3A_359 : i32
        %and3A_361 = arith.andi %ne3A_357, %ne3A_360 : i1
        %sub3A_362 = arith.constant 1 : i32
        %sub3A_363 = arith.subi %div3A_342, %sub3A_362 : i32
        %select_n3A_364 = arith.select %and3A_361, %sub3A_363, %div3A_342 : i32
        %scan3A_365 = arith.constant 0 : i32
        %scan3A_366 = arith.constant 0 : i32
        %scan3A_367 = arith.constant 8 : i32
        %scan3A_368 = arith.addi %scan3A_366, %scan3A_367 : i32
        %scan3A_369 = arith.constant 1 : i32
        %scan3A_370 = scf.for %scan3A_372 = %scan3A_366 to %scan3A_368 step %scan3A_369 iter_args(%scan3A_373 = %scan3A_365) -> (i32)  : i32 {
          %jit3A_374 = arith.constant 16 : i32
          %eq3A_375 = arith.constant 0 : i32
          %eq3A_376 = arith.cmpi eq, %jit3A_374, %eq3A_375 : i32
          %jit3A_377 = arith.constant 1 : i32
          %select_n3A_378 = arith.select %eq3A_376, %jit3A_377, %jit3A_374 : i32
          %rem3A_379 = arith.remsi %scan3A_108, %select_n3A_378 : i32
          %ne3A_380 = arith.constant 0 : i32
          %ne3A_381 = arith.cmpi ne, %rem3A_379, %ne3A_380 : i32
          %lt3A_382 = arith.constant 0 : i32
          %lt3A_383 = arith.cmpi slt, %rem3A_379, %lt3A_382 : i32
          %lt3A_384 = arith.constant 0 : i32
          %lt3A_385 = arith.cmpi slt, %select_n3A_378, %lt3A_384 : i32
          %ne3A_386 = arith.xori %lt3A_383, %lt3A_385 : i1
          %and3A_387 = arith.andi %ne3A_386, %ne3A_381 : i1
          %add3A_388 = arith.addi %rem3A_379, %select_n3A_378 : i32
          %select_n3A_389 = arith.select %and3A_387, %add3A_388, %rem3A_379 : i32
          %mul3A_390 = arith.constant 8 : i32
          %mul3A_391 = arith.muli %select_n3A_389, %mul3A_390 : i32
          %add3A_392 = arith.addi %mul3A_391, %scan3A_372 : i32
          %mul3A_393 = arith.constant 16 : i32
          %mul3A_394 = arith.muli %add3A_392, %mul3A_393 : i32
          %get3A = arith.index_cast %mul3A_394 : i32 to index
          %get3A_395 = tpu.vector_load %arg7[%get3A] {strides = array<i32>} : memref<2048xi32, #tpu.memory_space<vmem>>, vector<16xi32>,
          %mul3A_396 = arith.constant 16 : i32
          %mul3A_397 = arith.muli %add3A_392, %mul3A_396 : i32
          %get3A_398 = arith.index_cast %mul3A_397 : i32 to index
          %get3A_399 = tpu.vector_load %arg9[%get3A_398] {strides = array<i32>} : memref<2048xi32, #tpu.memory_space<vmem>>, vector<16xi32>,
          %mul3A_400 = arith.constant 128 : i32
          %mul3A_401 = vector.broadcast %mul3A_400 : i32 to vector<16xi32>
          %mul3A_402 = arith.muli %get3A_395, %mul3A_401 : vector<16xi32>
          %add3A_403 = arith.addi %mul3A_402, %get3A_399 : vector<16xi32>
          %sub3A_404 = vector.broadcast %mul3A_2 : i32 to vector<16xi32>
          %sub3A_405 = arith.subi %add3A_403, %sub3A_404 : vector<16xi32>
          %ge3A = arith.constant 0 : i32
          %ge3A_406 = vector.broadcast %ge3A : i32 to vector<16xi32>
          %ge3A_407 = arith.cmpi sge, %sub3A_405, %ge3A_406 : vector<16xi32>
          %lt3A_408 = arith.constant 4096 : i32
          %lt3A_409 = vector.broadcast %lt3A_408 : i32 to vector<16xi32>
          %lt3A_410 = arith.cmpi slt, %sub3A_405, %lt3A_409 : vector<16xi32>
          %and3A_411 = arith.andi %ge3A_407, %lt3A_410 : vector<16xi1>
          %reduce_or3A = arith.constant 1.000000e+00 : f32
          %reduce_or3A_412 = arith.constant 0.000000e+00 : f32
          %reduce_or3A_413 = vector.broadcast %reduce_or3A : f32 to vector<16xf32>
          %reduce_or3A_414 = vector.broadcast %reduce_or3A_412 : f32 to vector<16xf32>
          %reduce_or3A_415 = arith.select %and3A_411, %reduce_or3A_413, %reduce_or3A_414 : vector<16xi1>, vector<16xf32>
          %reduce_or3A_416 = arith.constant true
          %reduce_or3A_417 = vector.broadcast %reduce_or3A_416 : i1 to vector<16xi1>
          %reduce_or3A_418 = tpu.scan <max>, %reduce_or3A_415 masked %reduce_or3A_417 : vector<16xf32>, vector<16xi1> -> vector<16xf32>
          %reduce_or3A_419 = vector.extract %reduce_or3A_418[15] : f32 from vector<16xf32>
          %reduce_or3A_420 = arith.constant 0.000000e+00 : f32
          %reduce_or3A_421 = arith.cmpf ogt, %reduce_or3A_419, %reduce_or3A_420 : f32
          %convert_element_type3A_422 = arith.extui %reduce_or3A_421 : i1 to i32
          %cond3A_423 = arith.constant 0 : i32
          %cond3A_424 = arith.cmpi ne, %convert_element_type3A_422, %cond3A_423 : i32
          scf.if %cond3A_424 {
            %mul3A_426 = arith.constant 2048 : i32
            %mul3A_427 = arith.muli %select_n3A_364, %mul3A_426 : i32
            %mul3A_428 = arith.constant 16 : i32
            %mul3A_429 = arith.muli %add3A_392, %mul3A_428 : i32
            %add3A_430 = arith.addi %mul3A_427, %mul3A_429 : i32
            %add3A_431 = vector.broadcast %add3A_430 : i32 to vector<16xi32>
            %add3A_432 = arith.addi %add3A_431, %iota3A : vector<16xi32>
            %mul3A_433 = arith.constant 16384 : i32
            %mul3A_434 = vector.broadcast %mul3A_433 : i32 to vector<16xi32>
            %mul3A_435 = arith.muli %add3A_403, %mul3A_434 : vector<16xi32>
            %add3A_436 = arith.addi %mul3A_435, %add3A_432 : vector<16xi32>
            %sort3A = arith.constant dense<true> : vector<16xi1>
            %sort3A_437, %sort3A_438, %sort3A_439 = tpu.sort %add3A_436, %add3A_436 masked %sort3A : (vector<16xi32>, vector<16xi32>, vector<16xi1>) -> (vector<16xi1>, vector<16xi32>, vector<16xi32>)
            %shift_right_logical3A = arith.constant 14 : i32
            %shift_right_logical3A_440 = vector.broadcast %shift_right_logical3A : i32 to vector<16xi32>
            %shift_right_logical3A_441 = arith.shrui %sort3A_438, %shift_right_logical3A_440 : vector<16xi32>
            %and3A_442 = arith.constant 16383 : i32
            %and3A_443 = vector.broadcast %and3A_442 : i32 to vector<16xi32>
            %and3A_444 = arith.andi %sort3A_438, %and3A_443 : vector<16xi32>
            %sub3A_445 = vector.broadcast %mul3A_2 : i32 to vector<16xi32>
            %sub3A_446 = arith.subi %shift_right_logical3A_441, %sub3A_445 : vector<16xi32>
            %ge3A_447 = arith.constant 0 : i32
            %ge3A_448 = vector.broadcast %ge3A_447 : i32 to vector<16xi32>
            %ge3A_449 = arith.cmpi sge, %sub3A_446, %ge3A_448 : vector<16xi32>
            %lt3A_450 = arith.constant 4096 : i32
            %lt3A_451 = vector.broadcast %lt3A_450 : i32 to vector<16xi32>
            %lt3A_452 = arith.cmpi slt, %sub3A_446, %lt3A_451 : vector<16xi32>
            %and3A_453 = arith.andi %ge3A_449, %lt3A_452 : vector<16xi1>
            %add3A_454 = arith.constant 1 : i32
            %add3A_455 = vector.broadcast %add3A_454 : i32 to vector<16xi32>
            %add3A_456 = arith.addi %iota3A, %add3A_455 : vector<16xi32>
            %min3A = arith.constant 15 : i32
            %min3A_457 = vector.broadcast %min3A : i32 to vector<16xi32>
            %min3A_458 = arith.minsi %add3A_456, %min3A_457 : vector<16xi32>
            %reshape3A = vector.shape_cast %min3A_458 : vector<16xi32> to vector<16x1xi32>
            %gather3A = vector.shape_cast %reshape3A : vector<16x1xi32> to vector<16xi32>
            %gather3A_459 = tpu.dynamic_gather %shift_right_logical3A_441[%gather3A] in [0] : vector<16xi32>, vector<16xi32> -> vector<16xi32>
            %ne3A_460 = arith.cmpi ne, %shift_right_logical3A_441, %gather3A_459 : vector<16xi32>
            %eq3A_461 = arith.constant 15 : i32
            %eq3A_462 = vector.broadcast %eq3A_461 : i32 to vector<16xi32>
            %eq3A_463 = arith.cmpi eq, %iota3A, %eq3A_462 : vector<16xi32>
            %or3A = arith.ori %ne3A_460, %eq3A_463 : vector<16xi1>
            %and3A_464 = arith.andi %and3A_453, %or3A : vector<16xi1>
            %add3A_465 = arith.constant 1 : i32
            %add3A_466 = vector.broadcast %add3A_465 : i32 to vector<16xi32>
            %add3A_467 = arith.addi %and3A_444, %add3A_466 : vector<16xi32>
            tpu.vector_store_idx %arg11[%sub3A_446], %add3A_467 masked %and3A_464 : memref<4096xi32, #tpu.memory_space<vmem>>[vector<16xi32>], vector<16xi32>, vector<16xi1>
          } else {
          }
          %scan3A_425 = arith.constant 0 : i32
          scf.yield %scan3A_425 : i32
        }
        %scan3A_371 = arith.constant 8 : i32
      } else {
      }
      %jit3A_319 = arith.constant 2 : i32
      %eq3A_320 = arith.constant 0 : i32
      %eq3A_321 = arith.cmpi eq, %jit3A_319, %eq3A_320 : i32
      %jit3A_322 = arith.constant 1 : i32
      %select_n3A_323 = arith.select %eq3A_321, %jit3A_322, %jit3A_319 : i32
      %rem3A_324 = arith.remsi %select_n3A_217, %select_n3A_323 : i32
      %ne3A_325 = arith.constant 0 : i32
      %ne3A_326 = arith.cmpi ne, %rem3A_324, %ne3A_325 : i32
      %lt3A_327 = arith.constant 0 : i32
      %lt3A_328 = arith.cmpi slt, %rem3A_324, %lt3A_327 : i32
      %lt3A_329 = arith.constant 0 : i32
      %lt3A_330 = arith.cmpi slt, %select_n3A_323, %lt3A_329 : i32
      %ne3A_331 = arith.xori %lt3A_328, %lt3A_330 : i1
      %and3A_332 = arith.andi %ne3A_331, %ne3A_326 : i1
      %add3A_333 = arith.addi %rem3A_324, %select_n3A_323 : i32
      %select_n3A_334 = arith.select %and3A_332, %add3A_333, %rem3A_324 : i32
      %eq3A_335 = arith.constant 1 : i32
      %eq3A_336 = arith.cmpi eq, %select_n3A_334, %eq3A_335 : i32
      %convert_element_type3A_337 = arith.extui %eq3A_336 : i1 to i32
      %cond3A_338 = arith.constant 0 : i32
      %cond3A_339 = arith.cmpi ne, %convert_element_type3A_337, %cond3A_338 : i32
      scf.if %cond3A_339 {
        %jit3A_341 = arith.constant 16 : i32
        %div3A_342 = arith.divsi %scan3A_108, %jit3A_341 : i32
        %sign3A_343 = arith.constant 0 : i32
        %sign3A_344 = arith.cmpi sgt, %scan3A_108, %sign3A_343 : i32
        %sign3A_345 = arith.extui %sign3A_344 : i1 to i32
        %sign3A_346 = arith.constant 0 : i32
        %sign3A_347 = arith.cmpi slt, %scan3A_108, %sign3A_346 : i32
        %sign3A_348 = arith.extui %sign3A_347 : i1 to i32
        %sign3A_349 = arith.subi %sign3A_345, %sign3A_348 : i32
        %sign3A_350 = arith.constant 0 : i32
        %sign3A_351 = arith.cmpi sgt, %jit3A_341, %sign3A_350 : i32
        %sign3A_352 = arith.extui %sign3A_351 : i1 to i32
        %sign3A_353 = arith.constant 0 : i32
        %sign3A_354 = arith.cmpi slt, %jit3A_341, %sign3A_353 : i32
        %sign3A_355 = arith.extui %sign3A_354 : i1 to i32
        %sign3A_356 = arith.subi %sign3A_352, %sign3A_355 : i32
        %ne3A_357 = arith.cmpi ne, %sign3A_349, %sign3A_356 : i32
        %rem3A_358 = arith.remsi %scan3A_108, %jit3A_341 : i32
        %ne3A_359 = arith.constant 0 : i32
        %ne3A_360 = arith.cmpi ne, %rem3A_358, %ne3A_359 : i32
        %and3A_361 = arith.andi %ne3A_357, %ne3A_360 : i1
        %sub3A_362 = arith.constant 1 : i32
        %sub3A_363 = arith.subi %div3A_342, %sub3A_362 : i32
        %select_n3A_364 = arith.select %and3A_361, %sub3A_363, %div3A_342 : i32
        %scan3A_365 = arith.constant 0 : i32
        %scan3A_366 = arith.constant 0 : i32
        %scan3A_367 = arith.constant 8 : i32
        %scan3A_368 = arith.addi %scan3A_366, %scan3A_367 : i32
        %scan3A_369 = arith.constant 1 : i32
        %scan3A_370 = scf.for %scan3A_372 = %scan3A_366 to %scan3A_368 step %scan3A_369 iter_args(%scan3A_373 = %scan3A_365) -> (i32)  : i32 {
          %jit3A_374 = arith.constant 16 : i32
          %eq3A_375 = arith.constant 0 : i32
          %eq3A_376 = arith.cmpi eq, %jit3A_374, %eq3A_375 : i32
          %jit3A_377 = arith.constant 1 : i32
          %select_n3A_378 = arith.select %eq3A_376, %jit3A_377, %jit3A_374 : i32
          %rem3A_379 = arith.remsi %scan3A_108, %select_n3A_378 : i32
          %ne3A_380 = arith.constant 0 : i32
          %ne3A_381 = arith.cmpi ne, %rem3A_379, %ne3A_380 : i32
          %lt3A_382 = arith.constant 0 : i32
          %lt3A_383 = arith.cmpi slt, %rem3A_379, %lt3A_382 : i32
          %lt3A_384 = arith.constant 0 : i32
          %lt3A_385 = arith.cmpi slt, %select_n3A_378, %lt3A_384 : i32
          %ne3A_386 = arith.xori %lt3A_383, %lt3A_385 : i1
          %and3A_387 = arith.andi %ne3A_386, %ne3A_381 : i1
          %add3A_388 = arith.addi %rem3A_379, %select_n3A_378 : i32
          %select_n3A_389 = arith.select %and3A_387, %add3A_388, %rem3A_379 : i32
          %mul3A_390 = arith.constant 8 : i32
          %mul3A_391 = arith.muli %select_n3A_389, %mul3A_390 : i32
          %add3A_392 = arith.addi %mul3A_391, %scan3A_372 : i32
          %mul3A_393 = arith.constant 16 : i32
          %mul3A_394 = arith.muli %add3A_392, %mul3A_393 : i32
          %get3A = arith.index_cast %mul3A_394 : i32 to index
          %get3A_395 = tpu.vector_load %arg8[%get3A] {strides = array<i32>} : memref<2048xi32, #tpu.memory_space<vmem>>, vector<16xi32>,
          %mul3A_396 = arith.constant 16 : i32
          %mul3A_397 = arith.muli %add3A_392, %mul3A_396 : i32
          %get3A_398 = arith.index_cast %mul3A_397 : i32 to index
          %get3A_399 = tpu.vector_load %arg10[%get3A_398] {strides = array<i32>} : memref<2048xi32, #tpu.memory_space<vmem>>, vector<16xi32>,
          %mul3A_400 = arith.constant 128 : i32
          %mul3A_401 = vector.broadcast %mul3A_400 : i32 to vector<16xi32>
          %mul3A_402 = arith.muli %get3A_395, %mul3A_401 : vector<16xi32>
          %add3A_403 = arith.addi %mul3A_402, %get3A_399 : vector<16xi32>
          %sub3A_404 = vector.broadcast %mul3A_2 : i32 to vector<16xi32>
          %sub3A_405 = arith.subi %add3A_403, %sub3A_404 : vector<16xi32>
          %ge3A = arith.constant 0 : i32
          %ge3A_406 = vector.broadcast %ge3A : i32 to vector<16xi32>
          %ge3A_407 = arith.cmpi sge, %sub3A_405, %ge3A_406 : vector<16xi32>
          %lt3A_408 = arith.constant 4096 : i32
          %lt3A_409 = vector.broadcast %lt3A_408 : i32 to vector<16xi32>
          %lt3A_410 = arith.cmpi slt, %sub3A_405, %lt3A_409 : vector<16xi32>
          %and3A_411 = arith.andi %ge3A_407, %lt3A_410 : vector<16xi1>
          %reduce_or3A = arith.constant 1.000000e+00 : f32
          %reduce_or3A_412 = arith.constant 0.000000e+00 : f32
          %reduce_or3A_413 = vector.broadcast %reduce_or3A : f32 to vector<16xf32>
          %reduce_or3A_414 = vector.broadcast %reduce_or3A_412 : f32 to vector<16xf32>
          %reduce_or3A_415 = arith.select %and3A_411, %reduce_or3A_413, %reduce_or3A_414 : vector<16xi1>, vector<16xf32>
          %reduce_or3A_416 = arith.constant true
          %reduce_or3A_417 = vector.broadcast %reduce_or3A_416 : i1 to vector<16xi1>
          %reduce_or3A_418 = tpu.scan <max>, %reduce_or3A_415 masked %reduce_or3A_417 : vector<16xf32>, vector<16xi1> -> vector<16xf32>
          %reduce_or3A_419 = vector.extract %reduce_or3A_418[15] : f32 from vector<16xf32>
          %reduce_or3A_420 = arith.constant 0.000000e+00 : f32
          %reduce_or3A_421 = arith.cmpf ogt, %reduce_or3A_419, %reduce_or3A_420 : f32
          %convert_element_type3A_422 = arith.extui %reduce_or3A_421 : i1 to i32
          %cond3A_423 = arith.constant 0 : i32
          %cond3A_424 = arith.cmpi ne, %convert_element_type3A_422, %cond3A_423 : i32
          scf.if %cond3A_424 {
            %mul3A_426 = arith.constant 2048 : i32
            %mul3A_427 = arith.muli %select_n3A_364, %mul3A_426 : i32
            %mul3A_428 = arith.constant 16 : i32
            %mul3A_429 = arith.muli %add3A_392, %mul3A_428 : i32
            %add3A_430 = arith.addi %mul3A_427, %mul3A_429 : i32
            %add3A_431 = vector.broadcast %add3A_430 : i32 to vector<16xi32>
            %add3A_432 = arith.addi %add3A_431, %iota3A : vector<16xi32>
            %mul3A_433 = arith.constant 16384 : i32
            %mul3A_434 = vector.broadcast %mul3A_433 : i32 to vector<16xi32>
            %mul3A_435 = arith.muli %add3A_403, %mul3A_434 : vector<16xi32>
            %add3A_436 = arith.addi %mul3A_435, %add3A_432 : vector<16xi32>
            %sort3A = arith.constant dense<true> : vector<16xi1>
            %sort3A_437, %sort3A_438, %sort3A_439 = tpu.sort %add3A_436, %add3A_436 masked %sort3A : (vector<16xi32>, vector<16xi32>, vector<16xi1>) -> (vector<16xi1>, vector<16xi32>, vector<16xi32>)
            %shift_right_logical3A = arith.constant 14 : i32
            %shift_right_logical3A_440 = vector.broadcast %shift_right_logical3A : i32 to vector<16xi32>
            %shift_right_logical3A_441 = arith.shrui %sort3A_438, %shift_right_logical3A_440 : vector<16xi32>
            %and3A_442 = arith.constant 16383 : i32
            %and3A_443 = vector.broadcast %and3A_442 : i32 to vector<16xi32>
            %and3A_444 = arith.andi %sort3A_438, %and3A_443 : vector<16xi32>
            %sub3A_445 = vector.broadcast %mul3A_2 : i32 to vector<16xi32>
            %sub3A_446 = arith.subi %shift_right_logical3A_441, %sub3A_445 : vector<16xi32>
            %ge3A_447 = arith.constant 0 : i32
            %ge3A_448 = vector.broadcast %ge3A_447 : i32 to vector<16xi32>
            %ge3A_449 = arith.cmpi sge, %sub3A_446, %ge3A_448 : vector<16xi32>
            %lt3A_450 = arith.constant 4096 : i32
            %lt3A_451 = vector.broadcast %lt3A_450 : i32 to vector<16xi32>
            %lt3A_452 = arith.cmpi slt, %sub3A_446, %lt3A_451 : vector<16xi32>
            %and3A_453 = arith.andi %ge3A_449, %lt3A_452 : vector<16xi1>
            %add3A_454 = arith.constant 1 : i32
            %add3A_455 = vector.broadcast %add3A_454 : i32 to vector<16xi32>
            %add3A_456 = arith.addi %iota3A, %add3A_455 : vector<16xi32>
            %min3A = arith.constant 15 : i32
            %min3A_457 = vector.broadcast %min3A : i32 to vector<16xi32>
            %min3A_458 = arith.minsi %add3A_456, %min3A_457 : vector<16xi32>
            %reshape3A = vector.shape_cast %min3A_458 : vector<16xi32> to vector<16x1xi32>
            %gather3A = vector.shape_cast %reshape3A : vector<16x1xi32> to vector<16xi32>
            %gather3A_459 = tpu.dynamic_gather %shift_right_logical3A_441[%gather3A] in [0] : vector<16xi32>, vector<16xi32> -> vector<16xi32>
            %ne3A_460 = arith.cmpi ne, %shift_right_logical3A_441, %gather3A_459 : vector<16xi32>
            %eq3A_461 = arith.constant 15 : i32
            %eq3A_462 = vector.broadcast %eq3A_461 : i32 to vector<16xi32>
            %eq3A_463 = arith.cmpi eq, %iota3A, %eq3A_462 : vector<16xi32>
            %or3A = arith.ori %ne3A_460, %eq3A_463 : vector<16xi1>
            %and3A_464 = arith.andi %and3A_453, %or3A : vector<16xi1>
            %add3A_465 = arith.constant 1 : i32
            %add3A_466 = vector.broadcast %add3A_465 : i32 to vector<16xi32>
            %add3A_467 = arith.addi %and3A_444, %add3A_466 : vector<16xi32>
            tpu.vector_store_idx %arg11[%sub3A_446], %add3A_467 masked %and3A_464 : memref<4096xi32, #tpu.memory_space<vmem>>[vector<16xi32>], vector<16xi32>, vector<16xi1>
          } else {
          }
          %scan3A_425 = arith.constant 0 : i32
          scf.yield %scan3A_425 : i32
        }
        %scan3A_371 = arith.constant 8 : i32
      } else {
      }
      %scan3A_340 = arith.constant 0 : i32
      scf.yield %scan3A_340 : i32
    }
    %scan3A_32 = arith.constant 128 : i32
    %dma_wait3A = arith.constant 0 : i32
    %dma_wait3A_33 = tpu.memref_slice %arg6[%mul3A_2, %dma_wait3A] : memref<131072x512xf32, #tpu.memory_space<hbm>> -> memref<32x512xf32, #tpu.memory_space<hbm>>
    %dma_wait3A_34 = arith.constant 0 : i32
    %dma_wait3A_35 = tpu.memref_slice %arg6[%mul3A_2, %dma_wait3A_34] : memref<131072x512xf32, #tpu.memory_space<hbm>> -> memref<32x512xf32, #tpu.memory_space<hbm>>
    tpu.wait_dma2 semaphore(%arg28 : memref<!tpu.dma_semaphore, #tpu.memory_space<semaphore_mem>>) src(%arg20 : memref<32x512xf32, #tpu.memory_space<vmem>>) dst(%dma_wait3A_35 : memref<32x512xf32, #tpu.memory_space<hbm>>)
    %dma_wait3A_36 = arith.constant 0 : i32
    %dma_wait3A_37 = tpu.memref_slice %arg6[%mul3A_2, %dma_wait3A_36] : memref<131072x512xf32, #tpu.memory_space<hbm>> -> memref<32x512xf32, #tpu.memory_space<hbm>>
    %dma_wait3A_38 = arith.constant 0 : i32
    %dma_wait3A_39 = tpu.memref_slice %arg6[%mul3A_2, %dma_wait3A_38] : memref<131072x512xf32, #tpu.memory_space<hbm>> -> memref<32x512xf32, #tpu.memory_space<hbm>>
    tpu.wait_dma2 semaphore(%arg29 : memref<!tpu.dma_semaphore, #tpu.memory_space<semaphore_mem>>) src(%arg21 : memref<32x512xf32, #tpu.memory_space<vmem>>) dst(%dma_wait3A_39 : memref<32x512xf32, #tpu.memory_space<hbm>>)
    %dma_wait3A_40 = arith.constant 0 : i32
    %dma_wait3A_41 = tpu.memref_slice %arg6[%mul3A_2, %dma_wait3A_40] : memref<131072x512xf32, #tpu.memory_space<hbm>> -> memref<32x512xf32, #tpu.memory_space<hbm>>
    %dma_wait3A_42 = arith.constant 0 : i32
    %dma_wait3A_43 = tpu.memref_slice %arg6[%mul3A_2, %dma_wait3A_42] : memref<131072x512xf32, #tpu.memory_space<hbm>> -> memref<32x512xf32, #tpu.memory_space<hbm>>
    tpu.wait_dma2 semaphore(%arg30 : memref<!tpu.dma_semaphore, #tpu.memory_space<semaphore_mem>>) src(%arg22 : memref<32x512xf32, #tpu.memory_space<vmem>>) dst(%dma_wait3A_43 : memref<32x512xf32, #tpu.memory_space<hbm>>)
    %dma_wait3A_44 = arith.constant 0 : i32
    %dma_wait3A_45 = tpu.memref_slice %arg6[%mul3A_2, %dma_wait3A_44] : memref<131072x512xf32, #tpu.memory_space<hbm>> -> memref<32x512xf32, #tpu.memory_space<hbm>>
    %dma_wait3A_46 = arith.constant 0 : i32
    %dma_wait3A_47 = tpu.memref_slice %arg6[%mul3A_2, %dma_wait3A_46] : memref<131072x512xf32, #tpu.memory_space<hbm>> -> memref<32x512xf32, #tpu.memory_space<hbm>>
    tpu.wait_dma2 semaphore(%arg31 : memref<!tpu.dma_semaphore, #tpu.memory_space<semaphore_mem>>) src(%arg23 : memref<32x512xf32, #tpu.memory_space<vmem>>) dst(%dma_wait3A_47 : memref<32x512xf32, #tpu.memory_space<hbm>>)
    %scan3A_48 = arith.constant 0 : i32
    %scan3A_49 = arith.constant 0 : i32
    %scan3A_50 = arith.constant 256 : i32
    %scan3A_51 = arith.addi %scan3A_49, %scan3A_50 : i32
    %scan3A_52 = arith.constant 1 : i32
    %scan3A_53 = scf.for %scan3A_108 = %scan3A_49 to %scan3A_51 step %scan3A_52 iter_args(%scan3A_109 = %scan3A_48) -> (i32)  : i32 {
      %mul3A_110 = arith.constant 16 : i32
      %mul3A_111 = arith.muli %scan3A_108, %mul3A_110 : i32
      %get3A = arith.index_cast %mul3A_111 : i32 to index
      %get3A_112 = tpu.vector_load %arg11[%get3A] {strides = array<i32>} : memref<4096xi32, #tpu.memory_space<vmem>>, vector<16xi32>,
      %gt3A_113 = arith.constant 0 : i32
      %gt3A_114 = vector.broadcast %gt3A_113 : i32 to vector<16xi32>
      %gt3A_115 = arith.cmpi sgt, %get3A_112, %gt3A_114 : vector<16xi32>
      %mul3A_116 = arith.constant 16 : i32
      %mul3A_117 = arith.muli %scan3A_108, %mul3A_116 : i32
      %add3A_118 = arith.addi %mul3A_2, %mul3A_117 : i32
      %add3A_119 = vector.broadcast %add3A_118 : i32 to vector<16xi32>
      %add3A_120 = arith.addi %add3A_119, %iota3A : vector<16xi32>
      %sub3A_121 = arith.constant 1 : i32
      %sub3A_122 = vector.broadcast %sub3A_121 : i32 to vector<16xi32>
      %sub3A_123 = arith.subi %get3A_112, %sub3A_122 : vector<16xi32>
      %swap3A = arith.index_cast %scan3A_109 : i32 to index
      %swap3A_124 = tpu.vector_load %arg12[%swap3A] masked %gt3A_115 {strides = array<i32>} : memref<4112xi32, #tpu.memory_space<vmem>>, vector<16xi32>, vector<16xi1>
      tpu.vector_store %arg12[%swap3A], %add3A_120 masked %gt3A_115 {strides = array<i32>} : memref<4112xi32, #tpu.memory_space<vmem>>, vector<16xi32>, vector<16xi1>
      %swap3A_125 = arith.index_cast %scan3A_109 : i32 to index
      %swap3A_126 = tpu.vector_load %arg13[%swap3A_125] masked %gt3A_115 {strides = array<i32>} : memref<4112xi32, #tpu.memory_space<vmem>>, vector<16xi32>, vector<16xi1>
      tpu.vector_store %arg13[%swap3A_125], %sub3A_123 masked %gt3A_115 {strides = array<i32>} : memref<4112xi32, #tpu.memory_space<vmem>>, vector<16xi32>, vector<16xi1>
      %all_reduce_population_count3A = tpu.all_reduce %gt3A_115 {dim = 0 : i64, kind = #tpu.reduction_kind<sum>} : vector<16xi1> -> vector<16xi32>
      %slice3A = vector.extract_strided_slice %all_reduce_population_count3A {offsets = [0], sizes = [1], strides = [1]} : vector<16xi32> to vector<1xi32>
      %squeeze3A = vector.extract %slice3A[0] : i32 from vector<1xi32>
      %add3A_127 = arith.addi %scan3A_109, %squeeze3A : i32
      scf.yield %add3A_127 : i32
    }
    %scan3A_54 = arith.constant 256 : i32
    %add3A_55 = arith.constant 32 : i32
    %add3A_56 = arith.addi %scan3A_53, %add3A_55 : i32
    %sub3A = arith.constant 1 : i32
    %sub3A_57 = arith.subi %add3A_56, %sub3A : i32
    %jit3A = arith.constant 32 : i32
    %div3A = arith.divsi %sub3A_57, %jit3A : i32
    %sign3A = arith.constant 0 : i32
    %sign3A_58 = arith.cmpi sgt, %sub3A_57, %sign3A : i32
    %sign3A_59 = arith.extui %sign3A_58 : i1 to i32
    %sign3A_60 = arith.constant 0 : i32
    %sign3A_61 = arith.cmpi slt, %sub3A_57, %sign3A_60 : i32
    %sign3A_62 = arith.extui %sign3A_61 : i1 to i32
    %sign3A_63 = arith.subi %sign3A_59, %sign3A_62 : i32
    %sign3A_64 = arith.constant 0 : i32
    %sign3A_65 = arith.cmpi sgt, %jit3A, %sign3A_64 : i32
    %sign3A_66 = arith.extui %sign3A_65 : i1 to i32
    %sign3A_67 = arith.constant 0 : i32
    %sign3A_68 = arith.cmpi slt, %jit3A, %sign3A_67 : i32
    %sign3A_69 = arith.extui %sign3A_68 : i1 to i32
    %sign3A_70 = arith.subi %sign3A_66, %sign3A_69 : i32
    %ne3A = arith.cmpi ne, %sign3A_63, %sign3A_70 : i32
    %rem3A = arith.remsi %sub3A_57, %jit3A : i32
    %ne3A_71 = arith.constant 0 : i32
    %ne3A_72 = arith.cmpi ne, %rem3A, %ne3A_71 : i32
    %and3A = arith.andi %ne3A, %ne3A_72 : i1
    %sub3A_73 = arith.constant 1 : i32
    %sub3A_74 = arith.subi %div3A, %sub3A_73 : i32
    %select_n3A = arith.select %and3A, %sub3A_74, %div3A : i32
    %jit3A_75 = arith.constant 16 : i32
    %div3A_76 = arith.divsi %scan3A_53, %jit3A_75 : i32
    %sign3A_77 = arith.constant 0 : i32
    %sign3A_78 = arith.cmpi sgt, %scan3A_53, %sign3A_77 : i32
    %sign3A_79 = arith.extui %sign3A_78 : i1 to i32
    %sign3A_80 = arith.constant 0 : i32
    %sign3A_81 = arith.cmpi slt, %scan3A_53, %sign3A_80 : i32
    %sign3A_82 = arith.extui %sign3A_81 : i1 to i32
    %sign3A_83 = arith.subi %sign3A_79, %sign3A_82 : i32
    %sign3A_84 = arith.constant 0 : i32
    %sign3A_85 = arith.cmpi sgt, %jit3A_75, %sign3A_84 : i32
    %sign3A_86 = arith.extui %sign3A_85 : i1 to i32
    %sign3A_87 = arith.constant 0 : i32
    %sign3A_88 = arith.cmpi slt, %jit3A_75, %sign3A_87 : i32
    %sign3A_89 = arith.extui %sign3A_88 : i1 to i32
    %sign3A_90 = arith.subi %sign3A_86, %sign3A_89 : i32
    %ne3A_91 = arith.cmpi ne, %sign3A_83, %sign3A_90 : i32
    %rem3A_92 = arith.remsi %scan3A_53, %jit3A_75 : i32
    %ne3A_93 = arith.constant 0 : i32
    %ne3A_94 = arith.cmpi ne, %rem3A_92, %ne3A_93 : i32
    %and3A_95 = arith.andi %ne3A_91, %ne3A_94 : i1
    %sub3A_96 = arith.constant 1 : i32
    %sub3A_97 = arith.subi %div3A_76, %sub3A_96 : i32
    %select_n3A_98 = arith.select %and3A_95, %sub3A_97, %div3A_76 : i32
    %mul3A_99 = arith.constant 16 : i32
    %mul3A_100 = arith.muli %select_n3A_98, %mul3A_99 : i32
    %gt3A = arith.constant 0 : i32
    %gt3A_101 = arith.cmpi sgt, %scan3A_53, %gt3A : i32
    %convert_element_type3A = arith.extui %gt3A_101 : i1 to i32
    %cond3A = arith.constant 0 : i32
    %cond3A_102 = arith.cmpi ne, %convert_element_type3A, %cond3A : i32
    scf.if %cond3A_102 {
      %get3A = arith.constant 0 : index
      %get3A_108 = tpu.vector_load %arg12[%get3A] {strides = array<i32>} : memref<4112xi32, #tpu.memory_space<vmem>>, vector<16xi32>,
      %slice3A = vector.extract_strided_slice %get3A_108 {offsets = [0], sizes = [1], strides = [1]} : vector<16xi32> to vector<1xi32>
      %squeeze3A = vector.extract %slice3A[0] : i32 from vector<1xi32>
      %get3A_109 = arith.constant 0 : index
      %get3A_110 = tpu.vector_load %arg13[%get3A_109] {strides = array<i32>} : memref<4112xi32, #tpu.memory_space<vmem>>, vector<16xi32>,
      %slice3A_111 = vector.extract_strided_slice %get3A_110 {offsets = [0], sizes = [1], strides = [1]} : vector<16xi32> to vector<1xi32>
      %squeeze3A_112 = vector.extract %slice3A_111[0] : i32 from vector<1xi32>
      %add3A_113 = vector.broadcast %mul3A_100 : i32 to vector<16xi32>
      %add3A_114 = arith.addi %add3A_113, %iota3A : vector<16xi32>
      %ge3A = vector.broadcast %scan3A_53 : i32 to vector<16xi32>
      %ge3A_115 = arith.cmpi sge, %add3A_114, %ge3A : vector<16xi32>
      %get3A_116 = arith.index_cast %mul3A_100 : i32 to index
      %get3A_117 = tpu.vector_load %arg12[%get3A_116] {strides = array<i32>} : memref<4112xi32, #tpu.memory_space<vmem>>, vector<16xi32>,
      %broadcast_in_dim3A = vector.broadcast %squeeze3A : i32 to vector<16xi32>
      %select_n3A_118 = arith.select %ge3A_115, %broadcast_in_dim3A, %get3A_117 : vector<16xi1>, vector<16xi32>
      %swap3A = arith.index_cast %mul3A_100 : i32 to index
      %swap3A_119 = tpu.vector_load %arg12[%swap3A] {strides = array<i32>} : memref<4112xi32, #tpu.memory_space<vmem>>, vector<16xi32>,
      tpu.vector_store %arg12[%swap3A], %select_n3A_118 {strides = array<i32>} : memref<4112xi32, #tpu.memory_space<vmem>>, vector<16xi32>,
      %get3A_120 = arith.index_cast %mul3A_100 : i32 to index
      %get3A_121 = tpu.vector_load %arg13[%get3A_120] {strides = array<i32>} : memref<4112xi32, #tpu.memory_space<vmem>>, vector<16xi32>,
      %broadcast_in_dim3A_122 = vector.broadcast %squeeze3A_112 : i32 to vector<16xi32>
      %select_n3A_123 = arith.select %ge3A_115, %broadcast_in_dim3A_122, %get3A_121 : vector<16xi1>, vector<16xi32>
      %swap3A_124 = arith.index_cast %mul3A_100 : i32 to index
      %swap3A_125 = tpu.vector_load %arg13[%swap3A_124] {strides = array<i32>} : memref<4112xi32, #tpu.memory_space<vmem>>, vector<16xi32>,
      tpu.vector_store %arg13[%swap3A_124], %select_n3A_123 {strides = array<i32>} : memref<4112xi32, #tpu.memory_space<vmem>>, vector<16xi32>,
      %jit3A_126 = arith.constant 16 : i32
      %div3A_127 = arith.divsi %mul3A_100, %jit3A_126 : i32
      %sign3A_128 = arith.constant 0 : i32
      %sign3A_129 = arith.cmpi sgt, %mul3A_100, %sign3A_128 : i32
      %sign3A_130 = arith.extui %sign3A_129 : i1 to i32
      %sign3A_131 = arith.constant 0 : i32
      %sign3A_132 = arith.cmpi slt, %mul3A_100, %sign3A_131 : i32
      %sign3A_133 = arith.extui %sign3A_132 : i1 to i32
      %sign3A_134 = arith.subi %sign3A_130, %sign3A_133 : i32
      %sign3A_135 = arith.constant 0 : i32
      %sign3A_136 = arith.cmpi sgt, %jit3A_126, %sign3A_135 : i32
      %sign3A_137 = arith.extui %sign3A_136 : i1 to i32
      %sign3A_138 = arith.constant 0 : i32
      %sign3A_139 = arith.cmpi slt, %jit3A_126, %sign3A_138 : i32
      %sign3A_140 = arith.extui %sign3A_139 : i1 to i32
      %sign3A_141 = arith.subi %sign3A_137, %sign3A_140 : i32
      %ne3A_142 = arith.cmpi ne, %sign3A_134, %sign3A_141 : i32
      %rem3A_143 = arith.remsi %mul3A_100, %jit3A_126 : i32
      %ne3A_144 = arith.constant 0 : i32
      %ne3A_145 = arith.cmpi ne, %rem3A_143, %ne3A_144 : i32
      %and3A_146 = arith.andi %ne3A_142, %ne3A_145 : i1
      %sub3A_147 = arith.constant 1 : i32
      %sub3A_148 = arith.subi %div3A_127, %sub3A_147 : i32
      %select_n3A_149 = arith.select %and3A_146, %sub3A_148, %div3A_127 : i32
      %add3A_150 = arith.constant 1 : i32
      %add3A_151 = arith.addi %select_n3A_149, %add3A_150 : i32
      %mul3A_152 = arith.constant 32 : i32
      %mul3A_153 = arith.muli %select_n3A, %mul3A_152 : i32
      %jit3A_154 = arith.constant 16 : i32
      %div3A_155 = arith.divsi %mul3A_153, %jit3A_154 : i32
      %sign3A_156 = arith.constant 0 : i32
      %sign3A_157 = arith.cmpi sgt, %mul3A_153, %sign3A_156 : i32
      %sign3A_158 = arith.extui %sign3A_157 : i1 to i32
      %sign3A_159 = arith.constant 0 : i32
      %sign3A_160 = arith.cmpi slt, %mul3A_153, %sign3A_159 : i32
      %sign3A_161 = arith.extui %sign3A_160 : i1 to i32
      %sign3A_162 = arith.subi %sign3A_158, %sign3A_161 : i32
      %sign3A_163 = arith.constant 0 : i32
      %sign3A_164 = arith.cmpi sgt, %jit3A_154, %sign3A_163 : i32
      %sign3A_165 = arith.extui %sign3A_164 : i1 to i32
      %sign3A_166 = arith.constant 0 : i32
      %sign3A_167 = arith.cmpi slt, %jit3A_154, %sign3A_166 : i32
      %sign3A_168 = arith.extui %sign3A_167 : i1 to i32
      %sign3A_169 = arith.subi %sign3A_165, %sign3A_168 : i32
      %ne3A_170 = arith.cmpi ne, %sign3A_162, %sign3A_169 : i32
      %rem3A_171 = arith.remsi %mul3A_153, %jit3A_154 : i32
      %ne3A_172 = arith.constant 0 : i32
      %ne3A_173 = arith.cmpi ne, %rem3A_171, %ne3A_172 : i32
      %and3A_174 = arith.andi %ne3A_170, %ne3A_173 : i1
      %sub3A_175 = arith.constant 1 : i32
      %sub3A_176 = arith.subi %div3A_155, %sub3A_175 : i32
      %select_n3A_177 = arith.select %and3A_174, %sub3A_176, %div3A_155 : i32
      %while3A = arith.constant 0 : i32
      %while3A_178 = arith.subi %select_n3A_177, %add3A_151 : i32
      %while3A_179 = arith.addi %add3A_151, %while3A_178 : i32
      %while3A_180 = arith.constant 1 : i32
      %while3A_181 = arith.divsi %while3A_178, %while3A_180 : i32
      %while3A_182 = arith.muli %while3A_181, %while3A_180 : i32
      %while3A_183 = arith.addi %add3A_151, %while3A_182 : i32
      %while3A_184 = arith.constant 1 : i32
      %while3A_185 = scf.for %while3A_188 = %add3A_151 to %while3A_183 step %while3A_184 iter_args(%while3A_189 = %while3A) -> (i32)  : i32 {
        %broadcast_in_dim3A_190 = vector.broadcast %squeeze3A : i32 to vector<16xi32>
        %mul3A_191 = arith.constant 16 : i32
        %mul3A_192 = arith.muli %while3A_188, %mul3A_191 : i32
        %swap3A_193 = arith.index_cast %mul3A_192 : i32 to index
        %swap3A_194 = tpu.vector_load %arg12[%swap3A_193] {strides = array<i32>} : memref<4112xi32, #tpu.memory_space<vmem>>, vector<16xi32>,
        tpu.vector_store %arg12[%swap3A_193], %broadcast_in_dim3A_190 {strides = array<i32>} : memref<4112xi32, #tpu.memory_space<vmem>>, vector<16xi32>,
        %broadcast_in_dim3A_195 = vector.broadcast %squeeze3A_112 : i32 to vector<16xi32>
        %mul3A_196 = arith.constant 16 : i32
        %mul3A_197 = arith.muli %while3A_188, %mul3A_196 : i32
        %swap3A_198 = arith.index_cast %mul3A_197 : i32 to index
        %swap3A_199 = tpu.vector_load %arg13[%swap3A_198] {strides = array<i32>} : memref<4112xi32, #tpu.memory_space<vmem>>, vector<16xi32>,
        tpu.vector_store %arg13[%swap3A_198], %broadcast_in_dim3A_195 {strides = array<i32>} : memref<4112xi32, #tpu.memory_space<vmem>>, vector<16xi32>,
        %while3A_200 = arith.constant 0 : i32
        scf.yield %while3A_200 : i32
      }
      %while3A_186 = arith.constant 1 : i32
      %while3A_187 = scf.for %while3A_188 = %while3A_183 to %while3A_179 step %while3A_186 iter_args(%while3A_189 = %while3A_185) -> (i32)  : i32 {
        %broadcast_in_dim3A_190 = vector.broadcast %squeeze3A : i32 to vector<16xi32>
        %mul3A_191 = arith.constant 16 : i32
        %mul3A_192 = arith.muli %while3A_188, %mul3A_191 : i32
        %swap3A_193 = arith.index_cast %mul3A_192 : i32 to index
        %swap3A_194 = tpu.vector_load %arg12[%swap3A_193] {strides = array<i32>} : memref<4112xi32, #tpu.memory_space<vmem>>, vector<16xi32>,
        tpu.vector_store %arg12[%swap3A_193], %broadcast_in_dim3A_190 {strides = array<i32>} : memref<4112xi32, #tpu.memory_space<vmem>>, vector<16xi32>,
        %broadcast_in_dim3A_195 = vector.broadcast %squeeze3A_112 : i32 to vector<16xi32>
        %mul3A_196 = arith.constant 16 : i32
        %mul3A_197 = arith.muli %while3A_188, %mul3A_196 : i32
        %swap3A_198 = arith.index_cast %mul3A_197 : i32 to index
        %swap3A_199 = tpu.vector_load %arg13[%swap3A_198] {strides = array<i32>} : memref<4112xi32, #tpu.memory_space<vmem>>, vector<16xi32>,
        tpu.vector_store %arg13[%swap3A_198], %broadcast_in_dim3A_195 {strides = array<i32>} : memref<4112xi32, #tpu.memory_space<vmem>>, vector<16xi32>,
        %while3A_200 = arith.constant 0 : i32
        scf.yield %while3A_200 : i32
      }
    } else {
    }
    %gt3A_103 = arith.constant 0 : i32
    %gt3A_104 = arith.cmpi sgt, %select_n3A, %gt3A_103 : i32
    %convert_element_type3A_105 = arith.extui %gt3A_104 : i1 to i32
    %cond3A_106 = arith.constant 0 : i32
    %cond3A_107 = arith.cmpi ne, %convert_element_type3A_105, %cond3A_106 : i32
    scf.if %cond3A_107 {
      %get3A = arith.constant 0 : index
      %get3A_108 = tpu.vector_load %arg13[%get3A] {strides = array<i32>} : memref<4112xi32, #tpu.memory_space<vmem>>, vector<16xi32>,
      %swap3A = arith.constant 0 : index
      %swap3A_109 = tpu.vector_load %arg14[%swap3A] {strides = array<i32>} : memref<32xi32, #tpu.memory_space<vmem>>, vector<16xi32>,
      tpu.vector_store %arg14[%swap3A], %get3A_108 {strides = array<i32>} : memref<32xi32, #tpu.memory_space<vmem>>, vector<16xi32>,
      %get3A_110 = arith.constant 0 : index
      %get3A_111 = tpu.vector_load %arg12[%get3A_110] {strides = array<i32>} : memref<4112xi32, #tpu.memory_space<vmem>>, vector<16xi32>,
      %swap3A_112 = arith.constant 0 : index
      %swap3A_113 = tpu.vector_load %arg15[%swap3A_112] {strides = array<i32>} : memref<32xi32, #tpu.memory_space<vmem>>, vector<16xi32>,
      tpu.vector_store %arg15[%swap3A_112], %get3A_111 {strides = array<i32>} : memref<32xi32, #tpu.memory_space<vmem>>, vector<16xi32>,
      %get3A_114 = arith.constant 16 : index
      %get3A_115 = tpu.vector_load %arg13[%get3A_114] {strides = array<i32>} : memref<4112xi32, #tpu.memory_space<vmem>>, vector<16xi32>,
      %swap3A_116 = arith.constant 16 : index
      %swap3A_117 = tpu.vector_load %arg14[%swap3A_116] {strides = array<i32>} : memref<32xi32, #tpu.memory_space<vmem>>, vector<16xi32>,
      tpu.vector_store %arg14[%swap3A_116], %get3A_115 {strides = array<i32>} : memref<32xi32, #tpu.memory_space<vmem>>, vector<16xi32>,
      %get3A_118 = arith.constant 16 : index
      %get3A_119 = tpu.vector_load %arg12[%get3A_118] {strides = array<i32>} : memref<4112xi32, #tpu.memory_space<vmem>>, vector<16xi32>,
      %swap3A_120 = arith.constant 16 : index
      %swap3A_121 = tpu.vector_load %arg15[%swap3A_120] {strides = array<i32>} : memref<32xi32, #tpu.memory_space<vmem>>, vector<16xi32>,
      tpu.vector_store %arg15[%swap3A_120], %get3A_119 {strides = array<i32>} : memref<32xi32, #tpu.memory_space<vmem>>, vector<16xi32>,
      %dma_start3A_122 = arith.constant 0 : i32
      %dma_start3A_123 = arith.constant 0 : i32
      %dma_start3A_124 = tpu.memref_slice %arg2[%dma_start3A_122, %dma_start3A_123] : memref<16384x512xf32, #tpu.memory_space<hbm>> -> memref<16384x512xf32, #tpu.memory_space<hbm>>
      tpu.enqueue_indirect_dma source(%dma_start3A_124 : memref<16384x512xf32, #tpu.memory_space<hbm>>) target(%arg18 : memref<32x512xf32, #tpu.memory_space<vmem>>) offsets(%arg14 : memref<32xi32, #tpu.memory_space<vmem>>) semaphore(%arg36 : memref<!tpu.dma_semaphore, #tpu.memory_space<semaphore_mem>>)
      %while3A = arith.constant 0 : i32
      %while3A_125 = arith.constant 0 : i32
      %while3A_126 = arith.subi %select_n3A, %while3A : i32
      %while3A_127 = arith.addi %while3A, %while3A_126 : i32
      %while3A_128 = arith.constant 1 : i32
      %while3A_129 = arith.divsi %while3A_126, %while3A_128 : i32
      %while3A_130 = arith.muli %while3A_129, %while3A_128 : i32
      %while3A_131 = arith.addi %while3A, %while3A_130 : i32
      %while3A_132 = arith.constant 1 : i32
      %while3A_133 = scf.for %while3A_144 = %while3A to %while3A_131 step %while3A_132 iter_args(%while3A_145 = %while3A_125) -> (i32)  : i32 {
        %jit3A_146 = arith.constant 2 : i32
        %eq3A_147 = arith.constant 0 : i32
        %eq3A_148 = arith.cmpi eq, %jit3A_146, %eq3A_147 : i32
        %jit3A_149 = arith.constant 1 : i32
        %select_n3A_150 = arith.select %eq3A_148, %jit3A_149, %jit3A_146 : i32
        %rem3A_151 = arith.remsi %while3A_144, %select_n3A_150 : i32
        %ne3A_152 = arith.constant 0 : i32
        %ne3A_153 = arith.cmpi ne, %rem3A_151, %ne3A_152 : i32
        %lt3A = arith.constant 0 : i32
        %lt3A_154 = arith.cmpi slt, %rem3A_151, %lt3A : i32
        %lt3A_155 = arith.constant 0 : i32
        %lt3A_156 = arith.cmpi slt, %select_n3A_150, %lt3A_155 : i32
        %ne3A_157 = arith.xori %lt3A_154, %lt3A_156 : i1
        %and3A_158 = arith.andi %ne3A_157, %ne3A_153 : i1
        %add3A_159 = arith.addi %rem3A_151, %select_n3A_150 : i32
        %select_n3A_160 = arith.select %and3A_158, %add3A_159, %rem3A_151 : i32
        %eq3A_161 = arith.constant 0 : i32
        %eq3A_162 = arith.cmpi eq, %select_n3A_160, %eq3A_161 : i32
        %convert_element_type3A_163 = arith.extui %eq3A_162 : i1 to i32
        %cond3A_164 = arith.constant 0 : i32
        %cond3A_165 = arith.cmpi ne, %convert_element_type3A_163, %cond3A_164 : i32
        scf.if %cond3A_165 {
          %dma_wait3A_188 = arith.constant 0 : i32
          %dma_wait3A_189 = arith.constant 0 : i32
          %dma_wait3A_190 = tpu.memref_slice %arg2[%dma_wait3A_188, %dma_wait3A_189] : memref<16384x512xf32, #tpu.memory_space<hbm>> -> memref<16384x512xf32, #tpu.memory_space<hbm>>
          tpu.wait_indirect_dma semaphore(%arg36 : memref<!tpu.dma_semaphore, #tpu.memory_space<semaphore_mem>>) src(%dma_wait3A_190 : memref<16384x512xf32, #tpu.memory_space<hbm>>) dst(%arg18 : memref<32x512xf32, #tpu.memory_space<vmem>>)
          %dma_start3A_191 = arith.constant 0 : i32
          %dma_start3A_192 = arith.constant 0 : i32
          %dma_start3A_193 = tpu.memref_slice %arg6[%dma_start3A_191, %dma_start3A_192] : memref<131072x512xf32, #tpu.memory_space<hbm>> -> memref<131072x512xf32, #tpu.memory_space<hbm>>
          tpu.enqueue_indirect_dma source(%arg18 : memref<32x512xf32, #tpu.memory_space<vmem>>) target(%dma_start3A_193 : memref<131072x512xf32, #tpu.memory_space<hbm>>) offsets(%arg15 : memref<32xi32, #tpu.memory_space<vmem>>) semaphore(%arg38 : memref<!tpu.dma_semaphore, #tpu.memory_space<semaphore_mem>>)
          %add3A_194 = arith.constant 1 : i32
          %add3A_195 = arith.addi %while3A_144, %add3A_194 : i32
          %lt3A_196 = arith.cmpi slt, %add3A_195, %select_n3A : i32
          %convert_element_type3A_197 = arith.extui %lt3A_196 : i1 to i32
          %cond3A_198 = arith.constant 0 : i32
          %cond3A_199 = arith.cmpi ne, %convert_element_type3A_197, %cond3A_198 : i32
          scf.if %cond3A_199 {
            %ge3A_200 = arith.constant 1 : i32
            %ge3A_201 = arith.cmpi sge, %while3A_144, %ge3A_200 : i32
            %convert_element_type3A_202 = arith.extui %ge3A_201 : i1 to i32
            %cond3A_203 = arith.constant 0 : i32
            %cond3A_204 = arith.cmpi ne, %convert_element_type3A_202, %cond3A_203 : i32
            scf.if %cond3A_204 {
              %dma_wait3A_242 = arith.constant 0 : i32
              %dma_wait3A_243 = arith.constant 0 : i32
              %dma_wait3A_244 = tpu.memref_slice %arg6[%dma_wait3A_242, %dma_wait3A_243] : memref<131072x512xf32, #tpu.memory_space<hbm>> -> memref<131072x512xf32, #tpu.memory_space<hbm>>
              tpu.wait_indirect_dma semaphore(%arg39 : memref<!tpu.dma_semaphore, #tpu.memory_space<semaphore_mem>>) src(%arg19 : memref<32x512xf32, #tpu.memory_space<vmem>>) dst(%dma_wait3A_244 : memref<131072x512xf32, #tpu.memory_space<hbm>>)
            } else {
            }
            %add3A_205 = arith.constant 1 : i32
            %add3A_206 = arith.addi %while3A_144, %add3A_205 : i32
            %mul3A_207 = arith.constant 32 : i32
            %mul3A_208 = arith.muli %add3A_206, %mul3A_207 : i32
            %add3A_209 = arith.constant 0 : i32
            %add3A_210 = arith.addi %mul3A_208, %add3A_209 : i32
            %get3A_211 = arith.index_cast %add3A_210 : i32 to index
            %get3A_212 = tpu.vector_load %arg13[%get3A_211] {strides = array<i32>} : memref<4112xi32, #tpu.memory_space<vmem>>, vector<16xi32>,
            %swap3A_213 = arith.constant 0 : index
            %swap3A_214 = tpu.vector_load %arg16[%swap3A_213] {strides = array<i32>} : memref<32xi32, #tpu.memory_space<vmem>>, vector<16xi32>,
            tpu.vector_store %arg16[%swap3A_213], %get3A_212 {strides = array<i32>} : memref<32xi32, #tpu.memory_space<vmem>>, vector<16xi32>,
            %mul3A_215 = arith.constant 32 : i32
            %mul3A_216 = arith.muli %add3A_206, %mul3A_215 : i32
            %add3A_217 = arith.constant 0 : i32
            %add3A_218 = arith.addi %mul3A_216, %add3A_217 : i32
            %get3A_219 = arith.index_cast %add3A_218 : i32 to index
            %get3A_220 = tpu.vector_load %arg12[%get3A_219] {strides = array<i32>} : memref<4112xi32, #tpu.memory_space<vmem>>, vector<16xi32>,
            %swap3A_221 = arith.constant 0 : index
            %swap3A_222 = tpu.vector_load %arg17[%swap3A_221] {strides = array<i32>} : memref<32xi32, #tpu.memory_space<vmem>>, vector<16xi32>,
            tpu.vector_store %arg17[%swap3A_221], %get3A_220 {strides = array<i32>} : memref<32xi32, #tpu.memory_space<vmem>>, vector<16xi32>,
            %mul3A_223 = arith.constant 32 : i32
            %mul3A_224 = arith.muli %add3A_206, %mul3A_223 : i32
            %add3A_225 = arith.constant 16 : i32
            %add3A_226 = arith.addi %mul3A_224, %add3A_225 : i32
            %get3A_227 = arith.index_cast %add3A_226 : i32 to index
            %get3A_228 = tpu.vector_load %arg13[%get3A_227] {strides = array<i32>} : memref<4112xi32, #tpu.memory_space<vmem>>, vector<16xi32>,
            %swap3A_229 = arith.constant 16 : index
            %swap3A_230 = tpu.vector_load %arg16[%swap3A_229] {strides = array<i32>} : memref<32xi32, #tpu.memory_space<vmem>>, vector<16xi32>,
            tpu.vector_store %arg16[%swap3A_229], %get3A_228 {strides = array<i32>} : memref<32xi32, #tpu.memory_space<vmem>>, vector<16xi32>,
            %mul3A_231 = arith.constant 32 : i32
            %mul3A_232 = arith.muli %add3A_206, %mul3A_231 : i32
            %add3A_233 = arith.constant 16 : i32
            %add3A_234 = arith.addi %mul3A_232, %add3A_233 : i32
            %get3A_235 = arith.index_cast %add3A_234 : i32 to index
            %get3A_236 = tpu.vector_load %arg12[%get3A_235] {strides = array<i32>} : memref<4112xi32, #tpu.memory_space<vmem>>, vector<16xi32>,
            %swap3A_237 = arith.constant 16 : index
            %swap3A_238 = tpu.vector_load %arg17[%swap3A_237] {strides = array<i32>} : memref<32xi32, #tpu.memory_space<vmem>>, vector<16xi32>,
            tpu.vector_store %arg17[%swap3A_237], %get3A_236 {strides = array<i32>} : memref<32xi32, #tpu.memory_space<vmem>>, vector<16xi32>,
            %dma_start3A_239 = arith.constant 0 : i32
            %dma_start3A_240 = arith.constant 0 : i32
            %dma_start3A_241 = tpu.memref_slice %arg2[%dma_start3A_239, %dma_start3A_240] : memref<16384x512xf32, #tpu.memory_space<hbm>> -> memref<16384x512xf32, #tpu.memory_space<hbm>>
            tpu.enqueue_indirect_dma source(%dma_start3A_241 : memref<16384x512xf32, #tpu.memory_space<hbm>>) target(%arg19 : memref<32x512xf32, #tpu.memory_space<vmem>>) offsets(%arg16 : memref<32xi32, #tpu.memory_space<vmem>>) semaphore(%arg37 : memref<!tpu.dma_semaphore, #tpu.memory_space<semaphore_mem>>)
          } else {
          }
        } else {
        }
        %jit3A_166 = arith.constant 2 : i32
        %eq3A_167 = arith.constant 0 : i32
        %eq3A_168 = arith.cmpi eq, %jit3A_166, %eq3A_167 : i32
        %jit3A_169 = arith.constant 1 : i32
        %select_n3A_170 = arith.select %eq3A_168, %jit3A_169, %jit3A_166 : i32
        %rem3A_171 = arith.remsi %while3A_144, %select_n3A_170 : i32
        %ne3A_172 = arith.constant 0 : i32
        %ne3A_173 = arith.cmpi ne, %rem3A_171, %ne3A_172 : i32
        %lt3A_174 = arith.constant 0 : i32
        %lt3A_175 = arith.cmpi slt, %rem3A_171, %lt3A_174 : i32
        %lt3A_176 = arith.constant 0 : i32
        %lt3A_177 = arith.cmpi slt, %select_n3A_170, %lt3A_176 : i32
        %ne3A_178 = arith.xori %lt3A_175, %lt3A_177 : i1
        %and3A_179 = arith.andi %ne3A_178, %ne3A_173 : i1
        %add3A_180 = arith.addi %rem3A_171, %select_n3A_170 : i32
        %select_n3A_181 = arith.select %and3A_179, %add3A_180, %rem3A_171 : i32
        %eq3A_182 = arith.constant 1 : i32
        %eq3A_183 = arith.cmpi eq, %select_n3A_181, %eq3A_182 : i32
        %convert_element_type3A_184 = arith.extui %eq3A_183 : i1 to i32
        %cond3A_185 = arith.constant 0 : i32
        %cond3A_186 = arith.cmpi ne, %convert_element_type3A_184, %cond3A_185 : i32
        scf.if %cond3A_186 {
          %dma_wait3A_188 = arith.constant 0 : i32
          %dma_wait3A_189 = arith.constant 0 : i32
          %dma_wait3A_190 = tpu.memref_slice %arg2[%dma_wait3A_188, %dma_wait3A_189] : memref<16384x512xf32, #tpu.memory_space<hbm>> -> memref<16384x512xf32, #tpu.memory_space<hbm>>
          tpu.wait_indirect_dma semaphore(%arg37 : memref<!tpu.dma_semaphore, #tpu.memory_space<semaphore_mem>>) src(%dma_wait3A_190 : memref<16384x512xf32, #tpu.memory_space<hbm>>) dst(%arg19 : memref<32x512xf32, #tpu.memory_space<vmem>>)
          %dma_start3A_191 = arith.constant 0 : i32
          %dma_start3A_192 = arith.constant 0 : i32
          %dma_start3A_193 = tpu.memref_slice %arg6[%dma_start3A_191, %dma_start3A_192] : memref<131072x512xf32, #tpu.memory_space<hbm>> -> memref<131072x512xf32, #tpu.memory_space<hbm>>
          tpu.enqueue_indirect_dma source(%arg19 : memref<32x512xf32, #tpu.memory_space<vmem>>) target(%dma_start3A_193 : memref<131072x512xf32, #tpu.memory_space<hbm>>) offsets(%arg17 : memref<32xi32, #tpu.memory_space<vmem>>) semaphore(%arg39 : memref<!tpu.dma_semaphore, #tpu.memory_space<semaphore_mem>>)
          %add3A_194 = arith.constant 1 : i32
          %add3A_195 = arith.addi %while3A_144, %add3A_194 : i32
          %lt3A_196 = arith.cmpi slt, %add3A_195, %select_n3A : i32
          %convert_element_type3A_197 = arith.extui %lt3A_196 : i1 to i32
          %cond3A_198 = arith.constant 0 : i32
          %cond3A_199 = arith.cmpi ne, %convert_element_type3A_197, %cond3A_198 : i32
          scf.if %cond3A_199 {
            %ge3A_200 = arith.constant 1 : i32
            %ge3A_201 = arith.cmpi sge, %while3A_144, %ge3A_200 : i32
            %convert_element_type3A_202 = arith.extui %ge3A_201 : i1 to i32
            %cond3A_203 = arith.constant 0 : i32
            %cond3A_204 = arith.cmpi ne, %convert_element_type3A_202, %cond3A_203 : i32
            scf.if %cond3A_204 {
              %dma_wait3A_242 = arith.constant 0 : i32
              %dma_wait3A_243 = arith.constant 0 : i32
              %dma_wait3A_244 = tpu.memref_slice %arg6[%dma_wait3A_242, %dma_wait3A_243] : memref<131072x512xf32, #tpu.memory_space<hbm>> -> memref<131072x512xf32, #tpu.memory_space<hbm>>
              tpu.wait_indirect_dma semaphore(%arg38 : memref<!tpu.dma_semaphore, #tpu.memory_space<semaphore_mem>>) src(%arg18 : memref<32x512xf32, #tpu.memory_space<vmem>>) dst(%dma_wait3A_244 : memref<131072x512xf32, #tpu.memory_space<hbm>>)
            } else {
            }
            %add3A_205 = arith.constant 1 : i32
            %add3A_206 = arith.addi %while3A_144, %add3A_205 : i32
            %mul3A_207 = arith.constant 32 : i32
            %mul3A_208 = arith.muli %add3A_206, %mul3A_207 : i32
            %add3A_209 = arith.constant 0 : i32
            %add3A_210 = arith.addi %mul3A_208, %add3A_209 : i32
            %get3A_211 = arith.index_cast %add3A_210 : i32 to index
            %get3A_212 = tpu.vector_load %arg13[%get3A_211] {strides = array<i32>} : memref<4112xi32, #tpu.memory_space<vmem>>, vector<16xi32>,
            %swap3A_213 = arith.constant 0 : index
            %swap3A_214 = tpu.vector_load %arg14[%swap3A_213] {strides = array<i32>} : memref<32xi32, #tpu.memory_space<vmem>>, vector<16xi32>,
            tpu.vector_store %arg14[%swap3A_213], %get3A_212 {strides = array<i32>} : memref<32xi32, #tpu.memory_space<vmem>>, vector<16xi32>,
            %mul3A_215 = arith.constant 32 : i32
            %mul3A_216 = arith.muli %add3A_206, %mul3A_215 : i32
            %add3A_217 = arith.constant 0 : i32
            %add3A_218 = arith.addi %mul3A_216, %add3A_217 : i32
            %get3A_219 = arith.index_cast %add3A_218 : i32 to index
            %get3A_220 = tpu.vector_load %arg12[%get3A_219] {strides = array<i32>} : memref<4112xi32, #tpu.memory_space<vmem>>, vector<16xi32>,
            %swap3A_221 = arith.constant 0 : index
            %swap3A_222 = tpu.vector_load %arg15[%swap3A_221] {strides = array<i32>} : memref<32xi32, #tpu.memory_space<vmem>>, vector<16xi32>,
            tpu.vector_store %arg15[%swap3A_221], %get3A_220 {strides = array<i32>} : memref<32xi32, #tpu.memory_space<vmem>>, vector<16xi32>,
            %mul3A_223 = arith.constant 32 : i32
            %mul3A_224 = arith.muli %add3A_206, %mul3A_223 : i32
            %add3A_225 = arith.constant 16 : i32
            %add3A_226 = arith.addi %mul3A_224, %add3A_225 : i32
            %get3A_227 = arith.index_cast %add3A_226 : i32 to index
            %get3A_228 = tpu.vector_load %arg13[%get3A_227] {strides = array<i32>} : memref<4112xi32, #tpu.memory_space<vmem>>, vector<16xi32>,
            %swap3A_229 = arith.constant 16 : index
            %swap3A_230 = tpu.vector_load %arg14[%swap3A_229] {strides = array<i32>} : memref<32xi32, #tpu.memory_space<vmem>>, vector<16xi32>,
            tpu.vector_store %arg14[%swap3A_229], %get3A_228 {strides = array<i32>} : memref<32xi32, #tpu.memory_space<vmem>>, vector<16xi32>,
            %mul3A_231 = arith.constant 32 : i32
            %mul3A_232 = arith.muli %add3A_206, %mul3A_231 : i32
            %add3A_233 = arith.constant 16 : i32
            %add3A_234 = arith.addi %mul3A_232, %add3A_233 : i32
            %get3A_235 = arith.index_cast %add3A_234 : i32 to index
            %get3A_236 = tpu.vector_load %arg12[%get3A_235] {strides = array<i32>} : memref<4112xi32, #tpu.memory_space<vmem>>, vector<16xi32>,
            %swap3A_237 = arith.constant 16 : index
            %swap3A_238 = tpu.vector_load %arg15[%swap3A_237] {strides = array<i32>} : memref<32xi32, #tpu.memory_space<vmem>>, vector<16xi32>,
            tpu.vector_store %arg15[%swap3A_237], %get3A_236 {strides = array<i32>} : memref<32xi32, #tpu.memory_space<vmem>>, vector<16xi32>,
            %dma_start3A_239 = arith.constant 0 : i32
            %dma_start3A_240 = arith.constant 0 : i32
            %dma_start3A_241 = tpu.memref_slice %arg2[%dma_start3A_239, %dma_start3A_240] : memref<16384x512xf32, #tpu.memory_space<hbm>> -> memref<16384x512xf32, #tpu.memory_space<hbm>>
            tpu.enqueue_indirect_dma source(%dma_start3A_241 : memref<16384x512xf32, #tpu.memory_space<hbm>>) target(%arg18 : memref<32x512xf32, #tpu.memory_space<vmem>>) offsets(%arg14 : memref<32xi32, #tpu.memory_space<vmem>>) semaphore(%arg36 : memref<!tpu.dma_semaphore, #tpu.memory_space<semaphore_mem>>)
          } else {
          }
        } else {
        }
        %while3A_187 = arith.constant 0 : i32
        scf.yield %while3A_187 : i32
      }
      %while3A_134 = arith.constant 1 : i32
      %while3A_135 = scf.for %while3A_144 = %while3A_131 to %while3A_127 step %while3A_134 iter_args(%while3A_145 = %while3A_133) -> (i32)  : i32 {
        %jit3A_146 = arith.constant 2 : i32
        %eq3A_147 = arith.constant 0 : i32
        %eq3A_148 = arith.cmpi eq, %jit3A_146, %eq3A_147 : i32
        %jit3A_149 = arith.constant 1 : i32
        %select_n3A_150 = arith.select %eq3A_148, %jit3A_149, %jit3A_146 : i32
        %rem3A_151 = arith.remsi %while3A_144, %select_n3A_150 : i32
        %ne3A_152 = arith.constant 0 : i32
        %ne3A_153 = arith.cmpi ne, %rem3A_151, %ne3A_152 : i32
        %lt3A = arith.constant 0 : i32
        %lt3A_154 = arith.cmpi slt, %rem3A_151, %lt3A : i32
        %lt3A_155 = arith.constant 0 : i32
        %lt3A_156 = arith.cmpi slt, %select_n3A_150, %lt3A_155 : i32
        %ne3A_157 = arith.xori %lt3A_154, %lt3A_156 : i1
        %and3A_158 = arith.andi %ne3A_157, %ne3A_153 : i1
        %add3A_159 = arith.addi %rem3A_151, %select_n3A_150 : i32
        %select_n3A_160 = arith.select %and3A_158, %add3A_159, %rem3A_151 : i32
        %eq3A_161 = arith.constant 0 : i32
        %eq3A_162 = arith.cmpi eq, %select_n3A_160, %eq3A_161 : i32
        %convert_element_type3A_163 = arith.extui %eq3A_162 : i1 to i32
        %cond3A_164 = arith.constant 0 : i32
        %cond3A_165 = arith.cmpi ne, %convert_element_type3A_163, %cond3A_164 : i32
        scf.if %cond3A_165 {
          %dma_wait3A_188 = arith.constant 0 : i32
          %dma_wait3A_189 = arith.constant 0 : i32
          %dma_wait3A_190 = tpu.memref_slice %arg2[%dma_wait3A_188, %dma_wait3A_189] : memref<16384x512xf32, #tpu.memory_space<hbm>> -> memref<16384x512xf32, #tpu.memory_space<hbm>>
          tpu.wait_indirect_dma semaphore(%arg36 : memref<!tpu.dma_semaphore, #tpu.memory_space<semaphore_mem>>) src(%dma_wait3A_190 : memref<16384x512xf32, #tpu.memory_space<hbm>>) dst(%arg18 : memref<32x512xf32, #tpu.memory_space<vmem>>)
          %dma_start3A_191 = arith.constant 0 : i32
          %dma_start3A_192 = arith.constant 0 : i32
          %dma_start3A_193 = tpu.memref_slice %arg6[%dma_start3A_191, %dma_start3A_192] : memref<131072x512xf32, #tpu.memory_space<hbm>> -> memref<131072x512xf32, #tpu.memory_space<hbm>>
          tpu.enqueue_indirect_dma source(%arg18 : memref<32x512xf32, #tpu.memory_space<vmem>>) target(%dma_start3A_193 : memref<131072x512xf32, #tpu.memory_space<hbm>>) offsets(%arg15 : memref<32xi32, #tpu.memory_space<vmem>>) semaphore(%arg38 : memref<!tpu.dma_semaphore, #tpu.memory_space<semaphore_mem>>)
          %add3A_194 = arith.constant 1 : i32
          %add3A_195 = arith.addi %while3A_144, %add3A_194 : i32
          %lt3A_196 = arith.cmpi slt, %add3A_195, %select_n3A : i32
          %convert_element_type3A_197 = arith.extui %lt3A_196 : i1 to i32
          %cond3A_198 = arith.constant 0 : i32
          %cond3A_199 = arith.cmpi ne, %convert_element_type3A_197, %cond3A_198 : i32
          scf.if %cond3A_199 {
            %ge3A_200 = arith.constant 1 : i32
            %ge3A_201 = arith.cmpi sge, %while3A_144, %ge3A_200 : i32
            %convert_element_type3A_202 = arith.extui %ge3A_201 : i1 to i32
            %cond3A_203 = arith.constant 0 : i32
            %cond3A_204 = arith.cmpi ne, %convert_element_type3A_202, %cond3A_203 : i32
            scf.if %cond3A_204 {
              %dma_wait3A_242 = arith.constant 0 : i32
              %dma_wait3A_243 = arith.constant 0 : i32
              %dma_wait3A_244 = tpu.memref_slice %arg6[%dma_wait3A_242, %dma_wait3A_243] : memref<131072x512xf32, #tpu.memory_space<hbm>> -> memref<131072x512xf32, #tpu.memory_space<hbm>>
              tpu.wait_indirect_dma semaphore(%arg39 : memref<!tpu.dma_semaphore, #tpu.memory_space<semaphore_mem>>) src(%arg19 : memref<32x512xf32, #tpu.memory_space<vmem>>) dst(%dma_wait3A_244 : memref<131072x512xf32, #tpu.memory_space<hbm>>)
            } else {
            }
            %add3A_205 = arith.constant 1 : i32
            %add3A_206 = arith.addi %while3A_144, %add3A_205 : i32
            %mul3A_207 = arith.constant 32 : i32
            %mul3A_208 = arith.muli %add3A_206, %mul3A_207 : i32
            %add3A_209 = arith.constant 0 : i32
            %add3A_210 = arith.addi %mul3A_208, %add3A_209 : i32
            %get3A_211 = arith.index_cast %add3A_210 : i32 to index
            %get3A_212 = tpu.vector_load %arg13[%get3A_211] {strides = array<i32>} : memref<4112xi32, #tpu.memory_space<vmem>>, vector<16xi32>,
            %swap3A_213 = arith.constant 0 : index
            %swap3A_214 = tpu.vector_load %arg16[%swap3A_213] {strides = array<i32>} : memref<32xi32, #tpu.memory_space<vmem>>, vector<16xi32>,
            tpu.vector_store %arg16[%swap3A_213], %get3A_212 {strides = array<i32>} : memref<32xi32, #tpu.memory_space<vmem>>, vector<16xi32>,
            %mul3A_215 = arith.constant 32 : i32
            %mul3A_216 = arith.muli %add3A_206, %mul3A_215 : i32
            %add3A_217 = arith.constant 0 : i32
            %add3A_218 = arith.addi %mul3A_216, %add3A_217 : i32
            %get3A_219 = arith.index_cast %add3A_218 : i32 to index
            %get3A_220 = tpu.vector_load %arg12[%get3A_219] {strides = array<i32>} : memref<4112xi32, #tpu.memory_space<vmem>>, vector<16xi32>,
            %swap3A_221 = arith.constant 0 : index
            %swap3A_222 = tpu.vector_load %arg17[%swap3A_221] {strides = array<i32>} : memref<32xi32, #tpu.memory_space<vmem>>, vector<16xi32>,
            tpu.vector_store %arg17[%swap3A_221], %get3A_220 {strides = array<i32>} : memref<32xi32, #tpu.memory_space<vmem>>, vector<16xi32>,
            %mul3A_223 = arith.constant 32 : i32
            %mul3A_224 = arith.muli %add3A_206, %mul3A_223 : i32
            %add3A_225 = arith.constant 16 : i32
            %add3A_226 = arith.addi %mul3A_224, %add3A_225 : i32
            %get3A_227 = arith.index_cast %add3A_226 : i32 to index
            %get3A_228 = tpu.vector_load %arg13[%get3A_227] {strides = array<i32>} : memref<4112xi32, #tpu.memory_space<vmem>>, vector<16xi32>,
            %swap3A_229 = arith.constant 16 : index
            %swap3A_230 = tpu.vector_load %arg16[%swap3A_229] {strides = array<i32>} : memref<32xi32, #tpu.memory_space<vmem>>, vector<16xi32>,
            tpu.vector_store %arg16[%swap3A_229], %get3A_228 {strides = array<i32>} : memref<32xi32, #tpu.memory_space<vmem>>, vector<16xi32>,
            %mul3A_231 = arith.constant 32 : i32
            %mul3A_232 = arith.muli %add3A_206, %mul3A_231 : i32
            %add3A_233 = arith.constant 16 : i32
            %add3A_234 = arith.addi %mul3A_232, %add3A_233 : i32
            %get3A_235 = arith.index_cast %add3A_234 : i32 to index
            %get3A_236 = tpu.vector_load %arg12[%get3A_235] {strides = array<i32>} : memref<4112xi32, #tpu.memory_space<vmem>>, vector<16xi32>,
            %swap3A_237 = arith.constant 16 : index
            %swap3A_238 = tpu.vector_load %arg17[%swap3A_237] {strides = array<i32>} : memref<32xi32, #tpu.memory_space<vmem>>, vector<16xi32>,
            tpu.vector_store %arg17[%swap3A_237], %get3A_236 {strides = array<i32>} : memref<32xi32, #tpu.memory_space<vmem>>, vector<16xi32>,
            %dma_start3A_239 = arith.constant 0 : i32
            %dma_start3A_240 = arith.constant 0 : i32
            %dma_start3A_241 = tpu.memref_slice %arg2[%dma_start3A_239, %dma_start3A_240] : memref<16384x512xf32, #tpu.memory_space<hbm>> -> memref<16384x512xf32, #tpu.memory_space<hbm>>
            tpu.enqueue_indirect_dma source(%dma_start3A_241 : memref<16384x512xf32, #tpu.memory_space<hbm>>) target(%arg19 : memref<32x512xf32, #tpu.memory_space<vmem>>) offsets(%arg16 : memref<32xi32, #tpu.memory_space<vmem>>) semaphore(%arg37 : memref<!tpu.dma_semaphore, #tpu.memory_space<semaphore_mem>>)
          } else {
          }
        } else {
        }
        %jit3A_166 = arith.constant 2 : i32
        %eq3A_167 = arith.constant 0 : i32
        %eq3A_168 = arith.cmpi eq, %jit3A_166, %eq3A_167 : i32
        %jit3A_169 = arith.constant 1 : i32
        %select_n3A_170 = arith.select %eq3A_168, %jit3A_169, %jit3A_166 : i32
        %rem3A_171 = arith.remsi %while3A_144, %select_n3A_170 : i32
        %ne3A_172 = arith.constant 0 : i32
        %ne3A_173 = arith.cmpi ne, %rem3A_171, %ne3A_172 : i32
        %lt3A_174 = arith.constant 0 : i32
        %lt3A_175 = arith.cmpi slt, %rem3A_171, %lt3A_174 : i32
        %lt3A_176 = arith.constant 0 : i32
        %lt3A_177 = arith.cmpi slt, %select_n3A_170, %lt3A_176 : i32
        %ne3A_178 = arith.xori %lt3A_175, %lt3A_177 : i1
        %and3A_179 = arith.andi %ne3A_178, %ne3A_173 : i1
        %add3A_180 = arith.addi %rem3A_171, %select_n3A_170 : i32
        %select_n3A_181 = arith.select %and3A_179, %add3A_180, %rem3A_171 : i32
        %eq3A_182 = arith.constant 1 : i32
        %eq3A_183 = arith.cmpi eq, %select_n3A_181, %eq3A_182 : i32
        %convert_element_type3A_184 = arith.extui %eq3A_183 : i1 to i32
        %cond3A_185 = arith.constant 0 : i32
        %cond3A_186 = arith.cmpi ne, %convert_element_type3A_184, %cond3A_185 : i32
        scf.if %cond3A_186 {
          %dma_wait3A_188 = arith.constant 0 : i32
          %dma_wait3A_189 = arith.constant 0 : i32
          %dma_wait3A_190 = tpu.memref_slice %arg2[%dma_wait3A_188, %dma_wait3A_189] : memref<16384x512xf32, #tpu.memory_space<hbm>> -> memref<16384x512xf32, #tpu.memory_space<hbm>>
          tpu.wait_indirect_dma semaphore(%arg37 : memref<!tpu.dma_semaphore, #tpu.memory_space<semaphore_mem>>) src(%dma_wait3A_190 : memref<16384x512xf32, #tpu.memory_space<hbm>>) dst(%arg19 : memref<32x512xf32, #tpu.memory_space<vmem>>)
          %dma_start3A_191 = arith.constant 0 : i32
          %dma_start3A_192 = arith.constant 0 : i32
          %dma_start3A_193 = tpu.memref_slice %arg6[%dma_start3A_191, %dma_start3A_192] : memref<131072x512xf32, #tpu.memory_space<hbm>> -> memref<131072x512xf32, #tpu.memory_space<hbm>>
          tpu.enqueue_indirect_dma source(%arg19 : memref<32x512xf32, #tpu.memory_space<vmem>>) target(%dma_start3A_193 : memref<131072x512xf32, #tpu.memory_space<hbm>>) offsets(%arg17 : memref<32xi32, #tpu.memory_space<vmem>>) semaphore(%arg39 : memref<!tpu.dma_semaphore, #tpu.memory_space<semaphore_mem>>)
          %add3A_194 = arith.constant 1 : i32
          %add3A_195 = arith.addi %while3A_144, %add3A_194 : i32
          %lt3A_196 = arith.cmpi slt, %add3A_195, %select_n3A : i32
          %convert_element_type3A_197 = arith.extui %lt3A_196 : i1 to i32
          %cond3A_198 = arith.constant 0 : i32
          %cond3A_199 = arith.cmpi ne, %convert_element_type3A_197, %cond3A_198 : i32
          scf.if %cond3A_199 {
            %ge3A_200 = arith.constant 1 : i32
            %ge3A_201 = arith.cmpi sge, %while3A_144, %ge3A_200 : i32
            %convert_element_type3A_202 = arith.extui %ge3A_201 : i1 to i32
            %cond3A_203 = arith.constant 0 : i32
            %cond3A_204 = arith.cmpi ne, %convert_element_type3A_202, %cond3A_203 : i32
            scf.if %cond3A_204 {
              %dma_wait3A_242 = arith.constant 0 : i32
              %dma_wait3A_243 = arith.constant 0 : i32
              %dma_wait3A_244 = tpu.memref_slice %arg6[%dma_wait3A_242, %dma_wait3A_243] : memref<131072x512xf32, #tpu.memory_space<hbm>> -> memref<131072x512xf32, #tpu.memory_space<hbm>>
              tpu.wait_indirect_dma semaphore(%arg38 : memref<!tpu.dma_semaphore, #tpu.memory_space<semaphore_mem>>) src(%arg18 : memref<32x512xf32, #tpu.memory_space<vmem>>) dst(%dma_wait3A_244 : memref<131072x512xf32, #tpu.memory_space<hbm>>)
            } else {
            }
            %add3A_205 = arith.constant 1 : i32
            %add3A_206 = arith.addi %while3A_144, %add3A_205 : i32
            %mul3A_207 = arith.constant 32 : i32
            %mul3A_208 = arith.muli %add3A_206, %mul3A_207 : i32
            %add3A_209 = arith.constant 0 : i32
            %add3A_210 = arith.addi %mul3A_208, %add3A_209 : i32
            %get3A_211 = arith.index_cast %add3A_210 : i32 to index
            %get3A_212 = tpu.vector_load %arg13[%get3A_211] {strides = array<i32>} : memref<4112xi32, #tpu.memory_space<vmem>>, vector<16xi32>,
            %swap3A_213 = arith.constant 0 : index
            %swap3A_214 = tpu.vector_load %arg14[%swap3A_213] {strides = array<i32>} : memref<32xi32, #tpu.memory_space<vmem>>, vector<16xi32>,
            tpu.vector_store %arg14[%swap3A_213], %get3A_212 {strides = array<i32>} : memref<32xi32, #tpu.memory_space<vmem>>, vector<16xi32>,
            %mul3A_215 = arith.constant 32 : i32
            %mul3A_216 = arith.muli %add3A_206, %mul3A_215 : i32
            %add3A_217 = arith.constant 0 : i32
            %add3A_218 = arith.addi %mul3A_216, %add3A_217 : i32
            %get3A_219 = arith.index_cast %add3A_218 : i32 to index
            %get3A_220 = tpu.vector_load %arg12[%get3A_219] {strides = array<i32>} : memref<4112xi32, #tpu.memory_space<vmem>>, vector<16xi32>,
            %swap3A_221 = arith.constant 0 : index
            %swap3A_222 = tpu.vector_load %arg15[%swap3A_221] {strides = array<i32>} : memref<32xi32, #tpu.memory_space<vmem>>, vector<16xi32>,
            tpu.vector_store %arg15[%swap3A_221], %get3A_220 {strides = array<i32>} : memref<32xi32, #tpu.memory_space<vmem>>, vector<16xi32>,
            %mul3A_223 = arith.constant 32 : i32
            %mul3A_224 = arith.muli %add3A_206, %mul3A_223 : i32
            %add3A_225 = arith.constant 16 : i32
            %add3A_226 = arith.addi %mul3A_224, %add3A_225 : i32
            %get3A_227 = arith.index_cast %add3A_226 : i32 to index
            %get3A_228 = tpu.vector_load %arg13[%get3A_227] {strides = array<i32>} : memref<4112xi32, #tpu.memory_space<vmem>>, vector<16xi32>,
            %swap3A_229 = arith.constant 16 : index
            %swap3A_230 = tpu.vector_load %arg14[%swap3A_229] {strides = array<i32>} : memref<32xi32, #tpu.memory_space<vmem>>, vector<16xi32>,
            tpu.vector_store %arg14[%swap3A_229], %get3A_228 {strides = array<i32>} : memref<32xi32, #tpu.memory_space<vmem>>, vector<16xi32>,
            %mul3A_231 = arith.constant 32 : i32
            %mul3A_232 = arith.muli %add3A_206, %mul3A_231 : i32
            %add3A_233 = arith.constant 16 : i32
            %add3A_234 = arith.addi %mul3A_232, %add3A_233 : i32
            %get3A_235 = arith.index_cast %add3A_234 : i32 to index
            %get3A_236 = tpu.vector_load %arg12[%get3A_235] {strides = array<i32>} : memref<4112xi32, #tpu.memory_space<vmem>>, vector<16xi32>,
            %swap3A_237 = arith.constant 16 : index
            %swap3A_238 = tpu.vector_load %arg15[%swap3A_237] {strides = array<i32>} : memref<32xi32, #tpu.memory_space<vmem>>, vector<16xi32>,
            tpu.vector_store %arg15[%swap3A_237], %get3A_236 {strides = array<i32>} : memref<32xi32, #tpu.memory_space<vmem>>, vector<16xi32>,
            %dma_start3A_239 = arith.constant 0 : i32
            %dma_start3A_240 = arith.constant 0 : i32
            %dma_start3A_241 = tpu.memref_slice %arg2[%dma_start3A_239, %dma_start3A_240] : memref<16384x512xf32, #tpu.memory_space<hbm>> -> memref<16384x512xf32, #tpu.memory_space<hbm>>
            tpu.enqueue_indirect_dma source(%dma_start3A_241 : memref<16384x512xf32, #tpu.memory_space<hbm>>) target(%arg18 : memref<32x512xf32, #tpu.memory_space<vmem>>) offsets(%arg14 : memref<32xi32, #tpu.memory_space<vmem>>) semaphore(%arg36 : memref<!tpu.dma_semaphore, #tpu.memory_space<semaphore_mem>>)
          } else {
          }
        } else {
        }
        %while3A_187 = arith.constant 0 : i32
        scf.yield %while3A_187 : i32
      }
      %ge3A = arith.constant 2 : i32
      %ge3A_136 = arith.cmpi sge, %select_n3A, %ge3A : i32
      %convert_element_type3A_137 = arith.extui %ge3A_136 : i1 to i32
      %cond3A_138 = arith.constant 0 : i32
      %cond3A_139 = arith.cmpi ne, %convert_element_type3A_137, %cond3A_138 : i32
      scf.if %cond3A_139 {
        %dma_wait3A_144 = arith.constant 0 : i32
        %dma_wait3A_145 = arith.constant 0 : i32
        %dma_wait3A_146 = tpu.memref_slice %arg6[%dma_wait3A_144, %dma_wait3A_145] : memref<131072x512xf32, #tpu.memory_space<hbm>> -> memref<131072x512xf32, #tpu.memory_space<hbm>>
        tpu.wait_indirect_dma semaphore(%arg38 : memref<!tpu.dma_semaphore, #tpu.memory_space<semaphore_mem>>) src(%arg18 : memref<32x512xf32, #tpu.memory_space<vmem>>) dst(%dma_wait3A_146 : memref<131072x512xf32, #tpu.memory_space<hbm>>)
        %dma_wait3A_147 = arith.constant 0 : i32
        %dma_wait3A_148 = arith.constant 0 : i32
        %dma_wait3A_149 = tpu.memref_slice %arg6[%dma_wait3A_147, %dma_wait3A_148] : memref<131072x512xf32, #tpu.memory_space<hbm>> -> memref<131072x512xf32, #tpu.memory_space<hbm>>
        tpu.wait_indirect_dma semaphore(%arg39 : memref<!tpu.dma_semaphore, #tpu.memory_space<semaphore_mem>>) src(%arg19 : memref<32x512xf32, #tpu.memory_space<vmem>>) dst(%dma_wait3A_149 : memref<131072x512xf32, #tpu.memory_space<hbm>>)
      } else {
      }
      %eq3A = arith.constant 1 : i32
      %eq3A_140 = arith.cmpi eq, %select_n3A, %eq3A : i32
      %convert_element_type3A_141 = arith.extui %eq3A_140 : i1 to i32
      %cond3A_142 = arith.constant 0 : i32
      %cond3A_143 = arith.cmpi ne, %convert_element_type3A_141, %cond3A_142 : i32
      scf.if %cond3A_143 {
        %dma_wait3A_144 = arith.constant 0 : i32
        %dma_wait3A_145 = arith.constant 0 : i32
        %dma_wait3A_146 = tpu.memref_slice %arg6[%dma_wait3A_144, %dma_wait3A_145] : memref<131072x512xf32, #tpu.memory_space<hbm>> -> memref<131072x512xf32, #tpu.memory_space<hbm>>
        tpu.wait_indirect_dma semaphore(%arg38 : memref<!tpu.dma_semaphore, #tpu.memory_space<semaphore_mem>>) src(%arg18 : memref<32x512xf32, #tpu.memory_space<vmem>>) dst(%dma_wait3A_146 : memref<131072x512xf32, #tpu.memory_space<hbm>>)
      } else {
      }
    } else {
    }
    return
  }
}

</mosaic_0001>

<sc_bundles>
// kernel: kernel.3.cloned.1.call-start
scs
__scs_entry_jumppad:
0x0: {  	(pc) =	sbr.rel $0x88, $3  }
0x1: {  	(tag) =	ssettag $0x0;
	lr =	simm.s32 $0x1  }
0x2: {  	[smem:$0x3F9D] =	sst lr;
	_ =	strace $0xD0000000  }
0x3: {  	_ = 	snop  }
0x4: {  	_ = 	snop  }
0x5: {  	_ = 	snop  }
0x6: {  	_ = 	snop  }
0x7: {  	_ = 	snop  }
__scs_overlays_trampoline_lowered:
0x8: {  	[smem:$0x3FAC] =	sst s0  }
0x9: {  	[smem:$0x3FAD] =	sst s1  }
0xa: {  	[smem:$0x3FAE] =	sst s2  }
0xb: {  	[smem:$0x3FAF] =	sst s3  }
0xc: {  	[smem:$0x3FB0] =	sst s4  }
0xd: {  	[smem:$0x3FB1] =	sst s5  }
0xe: {  	[smem:$0x3FB2] =	sst s6  }
0xf: {  	[smem:$0x3FB3] =	sst s7  }
0x10: {  	[smem:$0x3FB4] =	sst s8  }
0x11: {  	[smem:$0x3FB5] =	sst s9;
	s0 =	simm.s32 @!p0 $0x0  }
0x12: {  	s1 =	sld [smem:$0x3F9B];
	s0 =	simm.s32 @p0 $0x1  }
0x13: {  	[smem:$0x3FB6] =	sst s0;
	s0 =	simm.s32 @!p1 $0x0  }
0x14: {  	s2 =	sld [smem:$0x3F9A];
	s0 =	simm.s32 @p1 $0x1  }
0x15: {  	[smem:$0x3FB7] =	sst s0;
	s0 =	simm.s32 @!p2 $0x0  }
0x16: {  	s3 =	sld [smem:$0x3FDB];
	s0 =	simm.s32 @p2 $0x1  }
0x17: {  	s4 =	simm.s32 $0x1BF5;
	[smem:$0x3FB9] =	sst s0  }
0x18: {  	s0 =	sld [smem:$0x3F9C];
	_ =	swait.ge [sflag:s4], $0x0  }
0x19: {  	s7 =	sld [smem:$0x3F9D]  }
0x1a: {  	s8 =	sadd.s32 $0xFFFFE003, lr  }
0x1b: {  	s9 =	sadd.s32 $0xFFFFFEF7, lr;
	s5 =	simm.s32 $0xFFFFFFFF;
	p2 =	slt.u32 s8, $0xFFFFF086  }
0x1c: {  	p1 =	slt.u32 s9, $0xF7A;
	s5 =	simm.s32 @!p2 $0x0  }
0x1d: {  	s5 =	simm.s32 @p1 $0x1;
	p0 =	seq.s32 s7, s2  }
0x1e: {  	s7 =	smul.u32 @!p0 $0xF7A, s2;
	p2 =	seq.s32 @!p0 s5, $0x0  }
0x1f: {  	s9 =	smul.u32 $0xF7A, s1;
	s8 =	simm.s32 @!p0 $0x1BF5;
	p2 =	por !p2, p0  }
0x20: {  	[sflag:s8] =	ssyncset.s32 @!p0 $0xFFFFF086;
	s6 =	sadd.s32 @!p0 s3, s7;
	s7 =	simm.s32 @!p0 $0x108  }
0x21: {  	s3 =	sadd.s32 s3, s9;
	s6 =	sadd.s32 @!p0 $0x88, s6;
	s7 =	simm.s32 @p2 $0x1082  }
0x22: {  	[simem:s7], [sflag:s8] =	dma.local @!p0 [hbm:s6], $0xF7A  }
0x23: {  	s9 =	sor.u32 $0xD0000000, s2;
	s6 =	simm.s32 $0x108;
	_ =	swait.ge @!p0 [sflag:s8], $0x0  }
0x24: {  	s3 =	sadd.s32 $0x88, s3;
	s6 =	simm.s32 @!p1 $0x1082;
	[sflag:s4] =	ssyncset.s32 $0xFFFFF086  }
0x25: {  	[simem:s6], [sflag:s4] =	dma.local [hbm:s3], $0xF7A  }
0x26: {  	[smem:$0x3F9D] =	sst s1;
	(tag) =	ssettag s2;
	_ =	strace s9  }
0x27: {  	s1 =	sld [smem:$0x3FAD]  }
0x28: {  	s2 =	sld [smem:$0x3FAE]  }
0x29: {  	s4 =	sld [smem:$0x3FB0]  }
0x2a: {  	p0 =	seq.s32 s5, $0x0;
	s5 =	sld [smem:$0x3FB1]  }
0x2b: {  	s6 =	sld [smem:$0x3FB2]  }
0x2c: {  	s7 =	sld [smem:$0x3FB3]  }
0x2d: {  	s3 =	simm.s32 $0x108;
	s8 =	sld [smem:$0x3FB4]  }
0x2e: {  	s3 =	simm.s32 @!p0 $0x1082;
	s9 =	sld [smem:$0x3FB5]  }
0x2f: {  	lr =	sadd.s32 s0, s3;
	s0 =	sld [smem:$0x3FAC]  }
0x30: {  	s3 =	sld [smem:$0x3FAF]  }
0x31: {  	[smem:$0x3FB8] =	sst s10  }
0x32: {  	s10 =	sld [smem:$0x3FB6];
	_ =	sdelay $0x3  }
0x33: {  	p0 =	seq.s32 s10, $0x1;
	s10 =	sld [smem:$0x3FB8];
	_ =	sdelay $0x3  }
0x34: {  	[smem:$0x3FB8] =	sst s10  }
0x35: {  	s10 =	sld [smem:$0x3FB7];
	_ =	sdelay $0x3  }
0x36: {  	p1 =	seq.s32 s10, $0x1;
	s10 =	sld [smem:$0x3FB8];
	_ =	sdelay $0x3  }
0x37: {  	[smem:$0x3FB8] =	sst s10  }
0x38: {  	s10 =	sld [smem:$0x3FB9]  }
0x39: {  	_ = 	snop;
	(pc) =	sbr.ind lr, $3  }
0x3a: {  	_ = 	snop  }
0x3b: {  	_ = 	snop  }
0x3c: {  	p2 =	seq.s32 s10, $0x1;
	s10 =	sld [smem:$0x3FB8]  }
0x3d: {  	_ =	shalt  }
0x3e: {  	_ =	shalt  }
0x3f: {  	_ =	shalt  }
0x40: {  	_ =	shalt  }
0x41: {  	_ =	shalt  }
0x42: {  	_ =	shalt  }
0x43: {  	_ =	shalt  }
0x44: {  	_ =	shalt  }
0x45: {  	_ =	shalt  }
0x46: {  	_ =	shalt  }
0x47: {  	_ =	shalt  }
0x48: {  	_ =	shalt  }
0x49: {  	_ =	shalt  }
0x4a: {  	_ =	shalt  }
0x4b: {  	_ =	shalt  }
0x4c: {  	_ =	shalt  }
0x4d: {  	_ =	shalt  }
0x4e: {  	_ =	shalt  }
0x4f: {  	_ =	shalt  }
0x50: {  	_ =	shalt  }
0x51: {  	_ =	shalt  }
0x52: {  	_ =	shalt  }
0x53: {  	_ =	shalt  }
0x54: {  	_ =	shalt  }
0x55: {  	_ =	shalt  }
0x56: {  	_ =	shalt  }
0x57: {  	_ =	shalt  }
0x58: {  	_ =	shalt  }
0x59: {  	_ =	shalt  }
0x5a: {  	_ =	shalt  }
0x5b: {  	_ =	shalt  }
0x5c: {  	_ =	shalt  }
0x5d: {  	_ =	shalt  }
0x5e: {  	_ =	shalt  }
0x5f: {  	_ =	shalt  }
0x60: {  	_ =	shalt  }
0x61: {  	_ =	shalt  }
0x62: {  	_ =	shalt  }
0x63: {  	_ =	shalt  }
0x64: {  	_ =	shalt  }
0x65: {  	_ =	shalt  }
0x66: {  	_ =	shalt  }
0x67: {  	_ =	shalt  }
0x68: {  	_ =	shalt  }
0x69: {  	_ =	shalt  }
0x6a: {  	_ =	shalt  }
0x6b: {  	_ =	shalt  }
0x6c: {  	_ =	shalt  }
0x6d: {  	_ =	shalt  }
0x6e: {  	_ =	shalt  }
0x6f: {  	_ =	shalt  }
0x70: {  	_ =	shalt  }
0x71: {  	_ =	shalt  }
0x72: {  	_ =	shalt  }
0x73: {  	_ =	shalt  }
0x74: {  	_ =	shalt  }
0x75: {  	_ =	shalt  }
0x76: {  	_ =	shalt  }
0x77: {  	_ =	shalt  }
0x78: {  	_ =	shalt  }
0x79: {  	_ =	shalt  }
0x7a: {  	_ =	shalt  }
0x7b: {  	_ =	shalt  }
0x7c: {  	_ =	shalt  }
0x7d: {  	_ =	shalt  }
0x7e: {  	_ =	shalt  }
0x7f: {  	_ =	shalt  }
0x80: {  	_ =	shalt  }
0x81: {  	_ =	shalt  }
0x82: {  	_ =	shalt  }
0x83: {  	_ =	shalt  }
0x84: {  	_ =	shalt  }
0x85: {  	_ =	shalt  }
0x86: {  	_ =	shalt  }
0x87: {  	_ =	shalt  }
.Lfunc_end0:
.L_simem_size_0:
called_computation.2_lowered:
.L_overlay_start_0:
0x88: {  	s2 =	sld [smem:$0x3FD9]  }
0x89: {  	s3 =	sld [smem:$0x3FFE];
	_ =	sdelay $0x1  }
0x8a: {  	s1 =	srdreg.scid  }
0x8b: {  	s0 =	sand.u32 $0x1, s1  }
0x8c: {  	s17 =	sshll.u32 s0, $0xA;
	s2 =	sadd.s32 s3, s2  }
0x8d: {  	s2 =	sadd.s32 s2, s17  }
0x8e: {  	[smem:$0x3FC4] =	sst s2  }
0x8f: {  	_ = 	snop  }
0x90: {  	s2 =	sld [smem:$0x3FC7]  }
0x91: {  	s18 =	sld [smem:$0x3FC6]  }
0x92: {  	s4 =	sld [smem:$0x3FD0];
	(tm) =	ssettm $0x1  }
0x93: {  	s5 =	sld [smem:$0x3FFB];
	_ =	sdelay $0x3  }
0x94: {  	_ =	strace s5  }
0x95: {  	s5 =	sld [smem:$0x3FFC];
	_ =	sdelay $0x3  }
0x96: {  	_ =	strace s5  }
0x97: {  	s5 =	sld [smem:$0x3FFD];
	_ =	sdelay $0x3  }
0x98: {  	_ =	strace s5  }
0x99: {  	_ =	strace $0x8FFFFFFF  }
0x9a: {  	s19 =	sld [smem:$0x3FDB];
	_ =	sdelay $0x1  }
0x9b: {  	s6 =	simm.s32 $_scs_section_size  }
0x9c: {  	s7 =	simm.s32 $_size__tile_overlayer_lowered;
	s8 =	simm.s32 $_tile_overlayer_lowered  }
0x9d: {  	s22 =	simm.s32 $0x1BFF;
	s21 =	sshll.u32 s8, $0x1;
	s5 =	sadd.s32 s6, s19  }
0x9e: {  	s9 =	simm.s32 $0x0;
	s20 =	sshll.u32 s7, $0x1;
	s7 =	sadd.s32 s21, s5  }
0x9f: {  	[timem:s9], [sflag:s22] =	dma.local [hbm:s7], s20  }
0xa0: {  	_ =	swait.ge [sflag:s22], s20  }
0xa1: {  	s6 =	ssub.s32 $0x0, s20;
	[sflag:s22] =	ssyncset.done $0x0  }
0xa2: {  	[sflag:s22] =	ssyncadd.s32 s6;
	_ =	sdelay $0x1  }
0xa3: {  	s23 =	simm.s32 $0x1B8B  }
0xa4: {  	_ =	swait.ge [sflag:s23], $0x1  }
0xa5: {  	[sflag:s23] =	ssyncset.done $0x0  }
0xa6: {  	s25 =	simm.s32 $0x1B8E;
	s24 =	sld [smem:$0x3FFE];
	[sflag:s23] =	ssyncadd.s32 $0xFFFFFFFF  }
0xa7: {  	s26 =	simm.s32 $execute0_lowered;
	[smem:$0x3FD2] =	sst s25  }
0xa8: {  	s7 =	sshll.u32 s26, $0x1;
	_ =	strace $0x8000004C;
	[dreg:$0x1] =	wrdreg $0xFFFFFFFF  }
0xa9: {  	s28 =	simm.s32 $_size_execute0_lowered;
	s5 =	sadd.s32 s5, s7;
	[dreg:$0x0] =	wrdreg $0x0  }
0xaa: {  	s7 =	sshll.u32 s28, $0x1;
	[dreg:$0x2] =	wrdreg s5  }
0xab: {  	[dreg:$0x3] =	wrdreg s7  }
0xac: {  	[dreg:$0x4] =	wrdreg $0xC0  }
0xad: {  	_ =	task [dreg:s9], $0x5FFFF  }
0xae: {  	[dreg:$0x1] =	wrdreg $0xFFFFFFFF  }
0xaf: {  	[dreg:$0x0] =	wrdreg $0x60  }
0xb0: {  	[dreg:$0x2] =	wrdreg s24  }
0xb1: {  	[dreg:$0x3] =	wrdreg s4  }
0xb2: {  	[dreg:$0x4] =	wrdreg s2  }
0xb3: {  	[dreg:$0x5] =	wrdreg s18  }
0xb4: {  	[dreg:$0x6] =	wrdreg $0x9  }
0xb5: {  	_ =	task.clear_ibuf [dreg:s9], $0x7FFFF;
	_ =	strace $0x9000004C  }
0xb6: {  	s29 =	simm.s32 $0x9;
	_ =	strace $0x8000004E  }
0xb7: {  	_ =	swait.ge [sflag:s29], $0x1  }
0xb8: {  	[sflag:s29] =	ssyncadd.s32 $0xFFFFFFFF  }
0xb9: {  	_ =	strace $0x9000004E  }
0xba: {  	_ =	sfence  }
0xbb: {  	s30 =	sld [smem:$0x0];
	_ =	sdelay $0x2  }
0xbc: {  	s31 =	sshll.u32 s1, $0xD;
	s1 =	sshrl.u32 s1, $0x2  }
0xbd: {  	s3 =	sand.u32 $0x4000, s31;
	s1 =	sadd.s32 s1, s30  }
0xbe: {  	s0 =	sor.u32 s3, s0;
	s1 =	sshll.u32 s1, $0x11  }
0xbf: {  	s0 =	sor.u32 s1, s0  }
0xc0: {  	s0 =	sadd.s32 $0x8F2B, s0  }
0xc1: {  	[sflag:s0] =	ssyncadd.remote.s32 $0x1  }
0xc2: {  	_ =	sfence.sel $0xFFFF  }
0xc3: {  	[dreg:$0x0] =	wrdreg $0xFFFFFFFF;
	(pc) =	sbr.abs _section_cstart, $3  }
0xc4: {  	[dreg:$0x1] =	wrdreg $0xFFFFFFFF  }
0xc5: {  	_ =	task.clear_ibuf [dreg:s9], $0x2FFFF;
	_ =	strace $0x9FFFFFFF  }
0xc6: {  	(tm) =	ssettm $0x7FFFFFFF  }
0xc7: {  	_ =	shalt  }
tec
execute0_lowered:
.L_overlay_start_1:
0x0: {  	(tag) =	ssettag $0x1  }
0x1: {  	s0 =	rddreg [dreg:$0x0]  }
0x2: {  	s1 =	rddreg [dreg:$0x1]  }
0x3: {  	s2 =	rddreg [dreg:$0x2]  }
0x4: {  	s3 =	rddreg [dreg:$0x3]  }
0x5: {  	s4 =	srdreg.scid;
	s6 =	stileid.u32  }
0x6: {  	s14 =	simm.s32 $0xD300;
	s15 =	simm.s32 $0x11300;
	s17 =	simm.s32 $0x7  }
0x7: {  	s19 =	simm.s32 $0x1;
	s20 =	simm.s32 $0x8;
	s21 =	simm.s32 $0x19300  }
0x8: {  	s22 =	simm.s32 $0x2;
	s23 =	simm.s32 $0x5;
	s24 =	simm.s32 $0x6  }
0x9: {  	s26 =	simm.s32 $0xE;
	s5 =	sand.u32 $0x1, s4;
	s4 =	simm.s32 $0x0  }
0xa: {  	s6 =	sshll.u32 s6, $0xD;
	s8 =	sadd.s32 $0x100C00, s0;
	s11 =	sadd.s32 $0xD00, s0  }
0xb: {  	s12 =	sadd.s32 $0x100D00, s0;
	s7 =	sshll.u32 s5, $0xC;
	[smem:$0x7FF] =	sst s4  }
0xc: {  	s5 =	ssub.s32 $0x2, s5;
	s13 =	sor.u32 s7, s6;
	_ =	strace $0x8000004D  }
.Ltmp0:
0xd: {  	s6 =	sadd.s32 $0xC00, s0;
	s10 =	sshrl.u32 s5, $0x1;
	(pc) =	sbr.rel .LBB2_1-.Ltmp0, $4  }
0xe: {  	s9 =	sshll.u32 s13, $0x6;
	s29 =	ssub.s32 s5, s10;
	[dreg:$0x5] =	wrdreg s13  }
0xf: {  	v1 =	vimm.s32 $0x0;
	v2 =	vlaneseq.u32;
	v0 =	vmov s13;
	s13 =	simm.s32 $0x4;
	s7 =	sadd.s32 s1, s9;
	s31 =	smax.u32 s29, $0x1  }
0x10: {  	v3 =	vimm.f32 $0.0e+00;
	vm0 =	vmmov $0xffff;
	v5 =	vshrl.u32 v2, $0x3;
	s5 =	simm.s32 $0x0;
	s30 =	sadd.s32 $0x800, s7;
	[dreg:$0x7] =	wrdreg s31  }
0x11: {  	v4 =	vand.u32 $0x7, v2;
	v6 =	vor.u32 $0x8, v2;
	v5 =	vmul.u32 $0x8, v5;
	s10 =	sadd.s32 s8, s9;
	s9 =	simm.s32 $0x3;
	[dreg:$0x6] =	wrdreg s30  }
.LBB2_47:
0x12: {  	s0 =	simm.s32 $0xF  }
0x13: {  	_ =	swait.ge [sflag:s0], $0x4000  }
0x14: {  	p0 =	seq.s32 s28, $0x1;
	[sflag:s0] =	ssyncset.done $0x0  }
0x15: {  	[sflag:s0] =	ssyncadd.s32 $0xFFFFC000;
	s0 =	simm.s32 @!p0 $0x10  }
0x16: {  	_ =	swait.ge @!p0 [sflag:s0], $0x4000  }
0x17: {  	[sflag:s0] =	ssyncset.done @!p0 $0x0  }
0x18: {  	[sflag:s0] =	ssyncadd.s32 @!p0 $0xFFFFC000  }
.LBB2_48:
0x19: {  	s5 =	sadd.s32 $0x1, s5;
	s0 =	rddreg [dreg:$0x7]  }
0x1a: {  	p0 =	sne.s32 s5, s0  }
.Ltmp1:
0x1b: {  	_ = 	snop;
	(pc) =	sbr.rel @!p0 .LBB2_49-.Ltmp1, $1  }
0x1c: {  	_ =	sdelay $0x3  }
.LBB2_1:
0x1d: {  	s0 =	simm.s32 $0x40;
	s1 =	simm.s32 $0x0  }
.LBB2_2:
0x1e: {  	p0 =	sne.s32 s0, $0x3FC0;
	[tilespmem:s1+$0x2000] =	vst v1;
	s1 =	smov.u32 s0;
	s0 =	sadd.s32 $0x40, s0  }
.Ltmp2:
0x1f: {  	(pc) =	sbr.rel @p0 .LBB2_2-.Ltmp2, $2  }
0x20: {  	_ =	sdelay $0x2  }
0x21: {  	s1 =	sshra.s32 s1, $0x2  }
0x22: {  	[tilespmem:s1+$0x2000] =	vst v1;
	s28 =	simm.s32 $0x0  }
0x23: {  	[tilespmem:s14], [sflag:$0x1] =	stream.linear.gather [hbm4b:s7+s28], $0x4000, $0x38;
	[tilespmem:$0x1D300] =	vst v63  }
0x24: {  	s0 =	rddreg [dreg:$0x6]  }
0x25: {  	[tilespmem:s15], [sflag:$0x2] =	stream.linear.gather [hbm4b:s0+s28], $0x4000, $0x38;
	[tilespmem:$0x1D300] =	vst v63  }
.Ltmp3:
0x26: {  	_ = 	snop;
	(pc) =	sbr.rel .LBB2_4-.Ltmp3, $4  }
0x27: {  	_ = 	snop  }
0x28: {  	[tilespmem:s28], [sflag:$0x9] =	stream.linear.gather [hbm4b:s2+s28], $0x800, $0x38;
	[tilespmem:$0x1D300] =	vst v63  }
0x29: {  	s31 =	simm.s32 $0x1000;
	s29 =	simm.s32 $0x0  }
0x2a: {  	[tilespmem:s31], [sflag:$0xB] =	stream.linear.gather [hbm4b:s3+s28], $0x800, $0x38;
	[tilespmem:$0x1D300] =	vst v63  }
.LBB2_35:
0x2b: {  	s29 =	sadd.s32 $0x1, s29  }
0x2c: {  	p0 =	sne.s32 s29, $0x80  }
.Ltmp4:
0x2d: {  	_ = 	snop;
	(pc) =	sbr.rel @!p0 .LBB2_36-.Ltmp4, $2  }
0x2e: {  	_ =	sdelay $0x2  }
0x2f: {  	s28 =	sadd.s32 $0x1, s28  }
.LBB2_4:
0x30: {  	s16 =	sand.u32 $0x3, s29  }
0x31: {  	p0 =	sgt.s32 s16, $0x1  }
.Ltmp5:
0x32: {  	_ = 	snop;
	(pc) =	sbr.rel @p0 .LBB2_21-.Ltmp5, $2  }
0x33: {  	_ =	sdelay $0x2  }
0x34: {  	s0 =	sadd.s32 $0x2, s29;
	s1 =	sadd.s32 $0xFFFFFFFE, s29  }
0x35: {  	p0 =	seq.s32 s16, $0x0  }
.Ltmp6:
0x36: {  	_ = 	snop;
	(pc) =	sbr.rel @!p0 .LBB2_11-.Ltmp6, $1  }
0x37: {  	_ =	sdelay $0x3  }
0x38: {  	p0 =	sgt.u32 s1, $0x7B  }
.Ltmp7:
0x39: {  	_ = 	snop;
	(pc) =	sbr.rel @p0 .LBB2_8-.Ltmp7, $1  }
0x3a: {  	_ =	sdelay $0x3  }
.Ltmp8:
0x3b: {  	(pc) =	sbr.rel .LBB2_9-.Ltmp8, $4  }
0x3c: {  	_ = 	snop  }
0x3d: {  	_ =	swait.ge [sflag:s17], $0x4000  }
0x3e: {  	[sflag:s17] =	ssyncset.done $0x0  }
0x3f: {  	[sflag:s17] =	ssyncadd.s32 $0xFFFFC000  }
.LBB2_21:
0x40: {  	p1 =	seq.s32 s16, $0x2  }
.Ltmp9:
0x41: {  	_ = 	snop;
	(pc) =	sbr.rel @!p1 .LBB2_22-.Ltmp9, $2  }
0x42: {  	_ =	sdelay $0x2  }
0x43: {  	p0 =	sgt.u32 s1, $0x7B  }
.Ltmp10:
0x44: {  	(pc) =	sbr.rel @p0 .LBB2_18-.Ltmp10, $1  }
0x45: {  	_ =	sdelay $0x3  }
.Ltmp11:
0x46: {  	(pc) =	sbr.rel .LBB2_19-.Ltmp11, $4  }
0x47: {  	_ = 	snop  }
0x48: {  	_ =	swait.ge [sflag:s23], $0x4000  }
0x49: {  	[sflag:s23] =	ssyncset.done $0x0  }
0x4a: {  	[sflag:s23] =	ssyncadd.s32 $0xFFFFC000  }
.LBB2_11:
0x4b: {  	p0 =	sgt.u32 s1, $0x7B  }
.Ltmp12:
0x4c: {  	_ = 	snop;
	(pc) =	sbr.rel @p0 .LBB2_13-.Ltmp12, $1  }
0x4d: {  	_ =	sdelay $0x3  }
.Ltmp13:
0x4e: {  	(pc) =	sbr.rel .LBB2_14-.Ltmp13, $4  }
0x4f: {  	_ = 	snop  }
0x50: {  	_ =	swait.ge [sflag:s20], $0x4000  }
0x51: {  	[sflag:s20] =	ssyncset.done $0x0  }
0x52: {  	[sflag:s20] =	ssyncadd.s32 $0xFFFFC000  }
.LBB2_22:
.Ltmp14:
0x53: {  	(pc) =	sbr.rel @p0 .LBB2_24-.Ltmp14, $1  }
0x54: {  	_ =	sdelay $0x3  }
.Ltmp15:
0x55: {  	(pc) =	sbr.rel .LBB2_25-.Ltmp15, $4  }
0x56: {  	_ = 	snop  }
0x57: {  	_ =	swait.ge [sflag:s24], $0x4000  }
0x58: {  	[sflag:s24] =	ssyncset.done $0x0  }
0x59: {  	[sflag:s24] =	ssyncadd.s32 $0xFFFFC000  }
.LBB2_8:
0x5a: {  	p0 =	sgt.u32 s29, $0x7D  }
.Ltmp16:
0x5b: {  	_ = 	snop;
	(pc) =	sbr.rel @p0 .LBB2_10-.Ltmp16, $1  }
0x5c: {  	_ =	sdelay $0x3  }
.LBB2_9:
0x5d: {  	s0 =	sshll.u32 s0, $0xB  }
0x5e: {  	s1 =	simm.s32 $0x15300;
	s0 =	sadd.s32 s0, s7  }
0x5f: {  	[tilespmem:s1], [sflag:$0x3] =	stream.linear.gather [hbm4b:s0+s4], $0x4000, $0x38;
	[tilespmem:$0x1D300] =	vst v63  }
.LBB2_10:
.Ltmp17:
0x60: {  	(pc) =	sbr.rel .LBB2_27-.Ltmp17, $4  }
0x61: {  	_ =	swait.ge [sflag:s19], $0x4000  }
0x62: {  	s0 =	sshll.u32 s29, $0xB;
	[sflag:s19] =	ssyncset.done $0x0  }
0x63: {  	s0 =	sadd.s32 s0, s10;
	[sflag:s19] =	ssyncadd.s32 $0xFFFFC000  }
0x64: {  	[hbm4b:s0+s4] =	stream.linear.scatter [tilespmem:s14], [sflag:$0x5], $0x4000, $0x38;
	[tilespmem:$0x1D300] =	vst v63  }
.LBB2_18:
0x65: {  	p0 =	sgt.u32 s29, $0x7D  }
.Ltmp18:
0x66: {  	_ = 	snop;
	(pc) =	sbr.rel @p0 .LBB2_20-.Ltmp18, $1  }
0x67: {  	_ =	sdelay $0x3  }
.LBB2_19:
0x68: {  	s0 =	sshll.u32 s0, $0xB  }
0x69: {  	s0 =	sadd.s32 s0, s7  }
0x6a: {  	[tilespmem:s14], [sflag:$0x1] =	stream.linear.gather [hbm4b:s0+s4], $0x4000, $0x38;
	[tilespmem:$0x1D300] =	vst v63  }
.LBB2_20:
.Ltmp19:
0x6b: {  	(pc) =	sbr.rel .LBB2_27-.Ltmp19, $4  }
0x6c: {  	_ =	swait.ge [sflag:s9], $0x4000  }
0x6d: {  	s0 =	sshll.u32 s29, $0xB;
	[sflag:s9] =	ssyncset.done $0x0  }
0x6e: {  	s1 =	simm.s32 $0x15300;
	s0 =	sadd.s32 s0, s10;
	[sflag:s9] =	ssyncadd.s32 $0xFFFFC000  }
0x6f: {  	[hbm4b:s0+s4] =	stream.linear.scatter [tilespmem:s1], [sflag:$0x7], $0x4000, $0x38;
	[tilespmem:$0x1D300] =	vst v63  }
.LBB2_13:
0x70: {  	p0 =	sgt.u32 s29, $0x7D  }
.Ltmp20:
0x71: {  	_ = 	snop;
	(pc) =	sbr.rel @p0 .LBB2_15-.Ltmp20, $1  }
0x72: {  	_ =	sdelay $0x3  }
.LBB2_14:
0x73: {  	s0 =	sshll.u32 s0, $0xB  }
0x74: {  	s0 =	sadd.s32 s0, s7  }
0x75: {  	[tilespmem:s21], [sflag:$0x4] =	stream.linear.gather [hbm4b:s0+s4], $0x4000, $0x38;
	[tilespmem:$0x1D300] =	vst v63  }
.LBB2_15:
.Ltmp21:
0x76: {  	(pc) =	sbr.rel .LBB2_27-.Ltmp21, $4  }
0x77: {  	_ =	swait.ge [sflag:s22], $0x4000  }
0x78: {  	s0 =	sshll.u32 s29, $0xB;
	[sflag:s22] =	ssyncset.done $0x0  }
0x79: {  	s0 =	sadd.s32 s0, s10;
	[sflag:s22] =	ssyncadd.s32 $0xFFFFC000  }
0x7a: {  	[hbm4b:s0+s4] =	stream.linear.scatter [tilespmem:s15], [sflag:$0x6], $0x4000, $0x38;
	[tilespmem:$0x1D300] =	vst v63  }
.LBB2_24:
0x7b: {  	p0 =	sgt.u32 s29, $0x7D  }
.Ltmp22:
0x7c: {  	_ = 	snop;
	(pc) =	sbr.rel @p0 .LBB2_26-.Ltmp22, $1  }
0x7d: {  	_ =	sdelay $0x3  }
.LBB2_25:
0x7e: {  	s0 =	sshll.u32 s0, $0xB  }
0x7f: {  	s0 =	sadd.s32 s0, s7  }
0x80: {  	[tilespmem:s15], [sflag:$0x2] =	stream.linear.gather [hbm4b:s0+s4], $0x4000, $0x38;
	[tilespmem:$0x1D300] =	vst v63  }
.LBB2_26:
0x81: {  	_ =	swait.ge [sflag:s13], $0x4000  }
0x82: {  	s0 =	sshll.u32 s29, $0xB;
	[sflag:s13] =	ssyncset.done $0x0  }
0x83: {  	s0 =	sadd.s32 s0, s10;
	[sflag:s13] =	ssyncadd.s32 $0xFFFFC000  }
0x84: {  	[hbm4b:s0+s4] =	stream.linear.scatter [tilespmem:s21], [sflag:$0x8], $0x4000, $0x38;
	[tilespmem:$0x1D300] =	vst v63  }
.LBB2_27:
0x85: {  	s0 =	sshrl.u32 s29, $0x4  }
0x86: {  	s1 =	sand.u32 $0xF, s29;
	s16 =	sand.u32 $0x1, s0  }
0x87: {  	s30 =	sor.u32 s1, s16  }
0x88: {  	p0 =	sne.s32 s30, $0x0  }
0x89: {  	s30 =	simm.s32 @!p0 $0x9  }
0x8a: {  	_ =	swait.ge @!p0 [sflag:s30], $0x800  }
0x8b: {  	[sflag:s30] =	ssyncset.done @!p0 $0x0  }
0x8c: {  	p1 =	sgt.u32 @!p0 s29, $0x6F;
	[sflag:s30] =	ssyncadd.s32 @!p0 $0xFFFFF800;
	s30 =	simm.s32 @!p0 $0xB  }
0x8d: {  	p1 =	por p1, p0;
	_ =	swait.ge @!p0 [sflag:s30], $0x800  }
0x8e: {  	s31 =	sshll.u32 @!p1 s0, $0x8;
	[sflag:s30] =	ssyncset.done @!p0 $0x0  }
0x8f: {  	[sflag:s30] =	ssyncadd.s32 @!p0 $0xFFFFF800;
	s30 =	sadd.s32 @!p1 $0x100, s31  }
0x90: {  	s25 =	simm.s32 @!p1 $0x0;
	s18 =	simm.s32 @!p1 $0x800;
	s31 =	sadd.s32 @!p1 s2, s30  }
0x91: {  	[tilespmem:s18], [sflag:$0xA] =	stream.linear.gather @!p1 [hbm4b:s31+s25], $0x800, $0x38;
	[tilespmem:$0x1D300] =	vst v63  }
0x92: {  	s18 =	sadd.s32 @!p1 s3, s30;
	s30 =	simm.s32 @!p1 $0x1800  }
0x93: {  	[tilespmem:s30], [sflag:$0xC] =	stream.linear.gather @!p1 [hbm4b:s18+s25], $0x800, $0x38;
	[tilespmem:$0x1D300] =	vst v63  }
0x94: {  	p0 =	seq.s32 s16, $0x1;
	p1 =	sne.s32 s1, $0x0  }
0x95: {  	p2 =	por !p0, p1  }
0x96: {  	s1 =	simm.s32 @!p2 $0xA  }
0x97: {  	p3 =	sgt.u32 @!p2 s29, $0x6F;
	_ =	swait.ge @!p2 [sflag:s1], $0x800  }
0x98: {  	p3 =	por @!p1 p3, !p0;
	[sflag:s1] =	ssyncset.done @!p2 $0x0  }
0x99: {  	p1 =	por p3, p1;
	[sflag:s1] =	ssyncadd.s32 @!p2 $0xFFFFF800;
	s1 =	simm.s32 @!p2 $0xC  }
0x9a: {  	s0 =	sshll.u32 @!p1 s0, $0x8;
	_ =	swait.ge @!p2 [sflag:s1], $0x800  }
0x9b: {  	s0 =	sadd.s32 @!p1 $0x100, s0;
	[sflag:s1] =	ssyncset.done @!p2 $0x0  }
0x9c: {  	s25 =	simm.s32 @!p1 $0x0;
	[sflag:s1] =	ssyncadd.s32 @!p2 $0xFFFFF800;
	s1 =	sadd.s32 @!p1 s2, s0  }
0x9d: {  	[tilespmem:s25], [sflag:$0x9] =	stream.linear.gather @!p1 [hbm4b:s1+s25], $0x800, $0x38;
	[tilespmem:$0x1D300] =	vst v63  }
0x9e: {  	s30 =	simm.s32 @!p1 $0x1000;
	s0 =	sadd.s32 @!p1 s3, s0  }
0x9f: {  	[tilespmem:s30], [sflag:$0xB] =	stream.linear.gather @!p1 [hbm4b:s0+s25], $0x800, $0x38;
	[tilespmem:$0x1D300] =	vst v63  }
0xa0: {  	p1 =	sne.s32 s16, $0x0  }
.Ltmp23:
0xa1: {  	_ = 	snop;
	(pc) =	sbr.rel @p1 .LBB2_31-.Ltmp23, $4  }
0xa2: {  	_ = 	snop  }
0xa3: {  	s18 =	sshll.u32 s29, $0x7;
	s1 =	sshll.u32 s28, $0x7  }
0xa4: {  	s31 =	sand.u32 $0x780, s1;
	s30 =	sand.u32 $0xFFFFF800, s18  }
0xa5: {  	s1 =	sor.u32 s31, s30  }
0xa6: {  	s0 =	sor.u32 $0x1000, s31;
	v7 =	vmov s31  }
0xa7: {  	v8 =	vmov s0;
	_ =	sdelay $0x2  }
0xa8: {  	s18 =	simm.s32 $0x0  }
0xa9: {  	v9 =	vld.idx.msk [tilespmem:v7+s18+$0x0 ss:$0x1], $0xffff  }
0xaa: {  	v10 =	vld.idx.msk [tilespmem:v8+s18+$0x0 ss:$0x1], $0xffff;
	_ =	sdelay $0x3  }
0xab: {  	v9 =	vshll.u32 v9, $0x7  }
0xac: {  	v9 =	vadd.s32 v10, v9  }
0xad: {  	v10 =	vsub.s32 v9, v0  }
0xae: {  	vm1 =	vlt.u32 v10, $0x1000  }
0xaf: {  	v10 =	vsel vm1, $0x3F800000, v3  }
0xb0: {  	(xrf0) =	vmax.scan.msk.f32 $0xffff, v10;
	_ =	sdelay $0x5  }
0xb1: {  	v10, _, _ =	vpop (xrf0)  }
0xb2: {  	(v2sf) =	vpush v10, $0xF;
	_ =	sdelay $0xe  }
0xb3: {  	s25 =	spop (v2sf)  }
0xb4: {  	p2 =	sgt.f32 s25, $0.0e+00;
	_ =	sdelay $0x1  }
0xb5: {  	v9 =	vshll.u32 @p2 v9, $0xE  }
0xb6: {  	v10 =	vlaneseq.u32 @p2;
	v9 =	vadd.s32 @p2 s1, v9  }
0xb7: {  	v9 =	vadd.s32 @p2 v10, v9  }
0xb8: {  	(xrf1) =	vsort.ascd.msk.u32 @p2 $0xffff, v9, v9;
	_ =	sdelay $0x6  }
0xb9: {  	v10 =	vimm.s32 @p2 $0x87654321  }
0xba: {  	v10 =	vunpack.c.l.s4.s8 @p2 v10  }
0xbb: {  	v9 =	vimm.s32 @p2 $0xFFEDCBA9  }
0xbc: {  	v9 =	vunpack.c.l.s4.s8 @p2 v9;
	v10 =	vunpack.c.0.s8.s32 @p2 v10;
	_ =	sdelay $0x1  }
0xbd: {  	v9 =	vunpack.c.0.s8.s32 @p2 v9;
	_ =	sdelay $0x1  }
0xbe: {  	v9 =	vcombine.low @p2 v10, v9;
	v10, _, _ =	vpop @p2 (xrf1)  }
0xbf: {  	v11 =	vshrl.u32 @p2 v10, $0xE  }
0xc0: {  	v9 =	vperm.xlane @p2 v11, v9;
	_ =	sdelay $0x1  }
0xc1: {  	vm2 =	vcmask @p2 $0x3F3C;
	v12 =	vsub.s32 @p2 v11, v0;
	vm1 =	vne.s32 @p2 v11, v9  }
0xc2: {  	vm3 =	vlt.u32 @p2 v12, $0x1000;
	vm1 =	vmor @p2 vm1, vm2  }
0xc3: {  	v9 =	vand.u32 @p2 $0xFFFFFF80, v12;
	v11 =	vand.u32 @p2 $0x7F, v11;
	vm1 =	vmand @p2 vm3, vm1  }
0xc4: {  	v9 =	vor.u32 @p2 v11, v9;
	_ =	sdelay $0x2  }
0xc5: {  	v10 =	vand.u32 @p2 $0x3FFF, v10  }
0xc6: {  	s30 =	smov.u32 s1;
	s0 =	simm.s32 $0x40;
	s16 =	simm.s32 @p2 $0x2000;
	v10 =	vadd.s32 @p2 $0x1, v10  }
.LBB2_29:
0xc7: {  	s18 =	sshra.s32 s0, $0x2;
	s0 =	sadd.s32 $0x40, s0;
	[tilespmem:v9+s16+$0x0] =	vst.idx.msk @p2 vm1, v10  }
0xc8: {  	v9 =	vld.idx.msk [tilespmem:v7+s18+$0x0 ss:$0x1], $0xffff;
	p1 =	sne.s32 s0, $0x200  }
0xc9: {  	v10 =	vld.idx.msk [tilespmem:v8+s18+$0x0 ss:$0x1], $0xffff;
	_ =	sdelay $0x4  }
0xca: {  	v9 =	vshll.u32 v9, $0x7  }
0xcb: {  	v9 =	vadd.s32 v10, v9  }
0xcc: {  	v10 =	vsub.s32 v9, v0  }
0xcd: {  	vm1 =	vlt.u32 v10, $0x1000  }
0xce: {  	v10 =	vsel vm1, $0x3F800000, v3  }
0xcf: {  	(xrf0) =	vmax.scan.msk.f32 $0xffff, v10;
	_ =	sdelay $0x5  }
0xd0: {  	v10, _, _ =	vpop (xrf0)  }
0xd1: {  	(v2sf) =	vpush v10, $0xF;
	_ =	sdelay $0xe  }
0xd2: {  	s16 =	spop (v2sf)  }
0xd3: {  	p2 =	sgt.f32 s16, $0.0e+00;
	_ =	sdelay $0x1  }
0xd4: {  	s30 =	sadd.s32 $0x10, s30;
	v9 =	vshll.u32 @p2 v9, $0xE  }
0xd5: {  	v10 =	vlaneseq.u32 @p2;
	v9 =	vadd.s32 @p2 s30, v9  }
0xd6: {  	v9 =	vadd.s32 @p2 v10, v9  }
0xd7: {  	(xrf1) =	vsort.ascd.msk.u32 @p2 $0xffff, v9, v9;
	_ =	sdelay $0x8  }
0xd8: {  	v10 =	vimm.s32 @p2 $0x87654321;
	v9 =	vimm.s32 @p2 $0xFFEDCBA9  }
0xd9: {  	v10 =	vunpack.c.l.s4.s8 @p2 v10;
	v9 =	vunpack.c.l.s4.s8 @p2 v9;
	_ =	sdelay $0x1  }
0xda: {  	v11 =	vunpack.c.0.s8.s32 @p2 v10;
	v9 =	vunpack.c.0.s8.s32 @p2 v9;
	_ =	sdelay $0x1  }
0xdb: {  	v9 =	vcombine.low @p2 v11, v9;
	v10, _, _ =	vpop @p2 (xrf1)  }
0xdc: {  	v11 =	vshrl.u32 @p2 v10, $0xE  }
0xdd: {  	v9 =	vperm.xlane @p2 v11, v9;
	_ =	sdelay $0x1  }
0xde: {  	vm2 =	vcmask @p2 $0x3F3C;
	v12 =	vsub.s32 @p2 v11, v0;
	vm1 =	vne.s32 @p2 v11, v9  }
0xdf: {  	vm3 =	vlt.u32 @p2 v12, $0x1000;
	vm1 =	vmor @p2 vm1, vm2  }
0xe0: {  	v9 =	vand.u32 @p2 $0xFFFFFF80, v12;
	v11 =	vand.u32 @p2 $0x7F, v11;
	vm1 =	vmand @p2 vm3, vm1  }
.Ltmp24:
0xe1: {  	v9 =	vor.u32 @p2 v11, v9;
	(pc) =	sbr.rel @p1 .LBB2_29-.Ltmp24, $3  }
0xe2: {  	_ =	sdelay $0x1  }
0xe3: {  	v10 =	vand.u32 @p2 $0x3FFF, v10  }
0xe4: {  	s16 =	simm.s32 @p2 $0x2000;
	v10 =	vadd.s32 @p2 $0x1, v10  }
0xe5: {  	_ =	sdelay $0x4  }
0xe6: {  	[tilespmem:v9+s16+$0x0] =	vst.idx.msk @p2 vm1, v10  }
.LBB2_31:
.Ltmp25:
0xe7: {  	(pc) =	sbr.rel @!p0 .LBB2_35-.Ltmp25, $1  }
0xe8: {  	_ =	sdelay $0x3  }
0xe9: {  	s0 =	sor.u32 $0x800, s31  }
0xea: {  	s16 =	sor.u32 $0x1800, s31;
	v7 =	vmov s0  }
0xeb: {  	v8 =	vmov s16;
	_ =	sdelay $0x2  }
0xec: {  	s30 =	simm.s32 $0x0  }
0xed: {  	v9 =	vld.idx.msk [tilespmem:v7+s30+$0x0 ss:$0x1], $0xffff  }
0xee: {  	v10 =	vld.idx.msk [tilespmem:v8+s30+$0x0 ss:$0x1], $0xffff;
	_ =	sdelay $0x3  }
0xef: {  	v9 =	vshll.u32 v9, $0x7  }
0xf0: {  	v9 =	vadd.s32 v10, v9  }
0xf1: {  	v10 =	vsub.s32 v9, v0  }
0xf2: {  	vm1 =	vlt.u32 v10, $0x1000  }
0xf3: {  	v10 =	vsel vm1, $0x3F800000, v3  }
0xf4: {  	(xrf0) =	vmax.scan.msk.f32 $0xffff, v10;
	_ =	sdelay $0x5  }
0xf5: {  	v10, _, _ =	vpop (xrf0)  }
0xf6: {  	(v2sf) =	vpush v10, $0xF;
	_ =	sdelay $0xe  }
0xf7: {  	s31 =	spop (v2sf)  }
0xf8: {  	p1 =	sgt.f32 s31, $0.0e+00;
	_ =	sdelay $0x1  }
0xf9: {  	v9 =	vshll.u32 @p1 v9, $0xE  }
0xfa: {  	v10 =	vlaneseq.u32 @p1;
	v9 =	vadd.s32 @p1 s1, v9  }
0xfb: {  	v9 =	vadd.s32 @p1 v10, v9  }
0xfc: {  	(xrf1) =	vsort.ascd.msk.u32 @p1 $0xffff, v9, v9;
	_ =	sdelay $0x6  }
0xfd: {  	v10 =	vimm.s32 @p1 $0x87654321  }
0xfe: {  	v10 =	vunpack.c.l.s4.s8 @p1 v10  }
0xff: {  	v9 =	vimm.s32 @p1 $0xFFEDCBA9  }
0x100: {  	v9 =	vunpack.c.l.s4.s8 @p1 v9;
	v10 =	vunpack.c.0.s8.s32 @p1 v10;
	_ =	sdelay $0x1  }
0x101: {  	v9 =	vunpack.c.0.s8.s32 @p1 v9;
	_ =	sdelay $0x1  }
0x102: {  	v9 =	vcombine.low @p1 v10, v9;
	v10, _, _ =	vpop @p1 (xrf1)  }
0x103: {  	v11 =	vshrl.u32 @p1 v10, $0xE  }
0x104: {  	v9 =	vperm.xlane @p1 v11, v9;
	_ =	sdelay $0x1  }
0x105: {  	vm2 =	vcmask @p1 $0x3F3C;
	v12 =	vsub.s32 @p1 v11, v0;
	vm1 =	vne.s32 @p1 v11, v9  }
0x106: {  	vm3 =	vlt.u32 @p1 v12, $0x1000;
	vm1 =	vmor @p1 vm1, vm2  }
0x107: {  	v9 =	vand.u32 @p1 $0xFFFFFF80, v12;
	v11 =	vand.u32 @p1 $0x7F, v11;
	vm1 =	vmand @p1 vm3, vm1  }
0x108: {  	v9 =	vor.u32 @p1 v11, v9;
	_ =	sdelay $0x2  }
0x109: {  	v10 =	vand.u32 @p1 $0x3FFF, v10  }
0x10a: {  	s0 =	simm.s32 $0x40;
	s16 =	simm.s32 @p1 $0x2000;
	v10 =	vadd.s32 @p1 $0x1, v10  }
.LBB2_33:
0x10b: {  	s18 =	sshra.s32 s0, $0x2;
	s0 =	sadd.s32 $0x40, s0;
	[tilespmem:v9+s16+$0x0] =	vst.idx.msk @p1 vm1, v10  }
0x10c: {  	v9 =	vld.idx.msk [tilespmem:v7+s18+$0x0 ss:$0x1], $0xffff;
	p0 =	sne.s32 s0, $0x200  }
0x10d: {  	v10 =	vld.idx.msk [tilespmem:v8+s18+$0x0 ss:$0x1], $0xffff;
	_ =	sdelay $0x4  }
0x10e: {  	v9 =	vshll.u32 v9, $0x7  }
0x10f: {  	v9 =	vadd.s32 v10, v9  }
0x110: {  	v10 =	vsub.s32 v9, v0  }
0x111: {  	vm1 =	vlt.u32 v10, $0x1000  }
0x112: {  	v10 =	vsel vm1, $0x3F800000, v3  }
0x113: {  	(xrf0) =	vmax.scan.msk.f32 $0xffff, v10;
	_ =	sdelay $0x5  }
0x114: {  	v10, _, _ =	vpop (xrf0)  }
0x115: {  	(v2sf) =	vpush v10, $0xF;
	_ =	sdelay $0xe  }
0x116: {  	s16 =	spop (v2sf)  }
0x117: {  	p1 =	sgt.f32 s16, $0.0e+00;
	_ =	sdelay $0x1  }
0x118: {  	s1 =	sadd.s32 $0x10, s1;
	v9 =	vshll.u32 @p1 v9, $0xE  }
0x119: {  	v10 =	vlaneseq.u32 @p1;
	v9 =	vadd.s32 @p1 s1, v9  }
0x11a: {  	v9 =	vadd.s32 @p1 v10, v9  }
0x11b: {  	(xrf1) =	vsort.ascd.msk.u32 @p1 $0xffff, v9, v9;
	_ =	sdelay $0x8  }
0x11c: {  	v10 =	vimm.s32 @p1 $0x87654321;
	v9 =	vimm.s32 @p1 $0xFFEDCBA9  }
0x11d: {  	v10 =	vunpack.c.l.s4.s8 @p1 v10;
	v9 =	vunpack.c.l.s4.s8 @p1 v9;
	_ =	sdelay $0x1  }
0x11e: {  	v11 =	vunpack.c.0.s8.s32 @p1 v10;
	v9 =	vunpack.c.0.s8.s32 @p1 v9;
	_ =	sdelay $0x1  }
0x11f: {  	v9 =	vcombine.low @p1 v11, v9;
	v10, _, _ =	vpop @p1 (xrf1)  }
0x120: {  	v11 =	vshrl.u32 @p1 v10, $0xE  }
0x121: {  	v9 =	vperm.xlane @p1 v11, v9;
	_ =	sdelay $0x1  }
0x122: {  	vm2 =	vcmask @p1 $0x3F3C;
	v12 =	vsub.s32 @p1 v11, v0;
	vm1 =	vne.s32 @p1 v11, v9  }
0x123: {  	vm3 =	vlt.u32 @p1 v12, $0x1000;
	vm1 =	vmor @p1 vm1, vm2  }
0x124: {  	v9 =	vand.u32 @p1 $0xFFFFFF80, v12;
	v11 =	vand.u32 @p1 $0x7F, v11;
	vm1 =	vmand @p1 vm3, vm1  }
.Ltmp26:
0x125: {  	v9 =	vor.u32 @p1 v11, v9;
	(pc) =	sbr.rel @p0 .LBB2_33-.Ltmp26, $3  }
0x126: {  	_ =	sdelay $0x1  }
0x127: {  	v10 =	vand.u32 @p1 $0x3FFF, v10  }
0x128: {  	s16 =	simm.s32 @p1 $0x2000;
	v10 =	vadd.s32 @p1 $0x1, v10  }
0x129: {  	_ = 	snop  }
.Ltmp27:
0x12a: {  	_ = 	snop;
	(pc) =	sbr.rel .LBB2_35-.Ltmp27, $2  }
0x12b: {  	_ =	sdelay $0x2  }
0x12c: {  	[tilespmem:v9+s16+$0x0] =	vst.idx.msk @p1 vm1, v10  }
.LBB2_36:
0x12d: {  	_ =	swait.ge [sflag:s23], $0x4000  }
0x12e: {  	[sflag:s23] =	ssyncset.done $0x0  }
0x12f: {  	[sflag:s23] =	ssyncadd.s32 $0xFFFFC000  }
0x130: {  	_ =	swait.ge [sflag:s24], $0x4000  }
0x131: {  	[sflag:s24] =	ssyncset.done $0x0  }
0x132: {  	[sflag:s24] =	ssyncadd.s32 $0xFFFFC000  }
0x133: {  	_ =	swait.ge [sflag:s17], $0x4000  }
0x134: {  	[sflag:s17] =	ssyncset.done $0x0  }
0x135: {  	[sflag:s17] =	ssyncadd.s32 $0xFFFFC000  }
0x136: {  	_ =	swait.ge [sflag:s20], $0x4000  }
0x137: {  	[sflag:s20] =	ssyncset.done $0x0  }
0x138: {  	s0 =	simm.s32 $0x0;
	[sflag:s20] =	ssyncadd.s32 $0xFFFFC000  }
0x139: {  	v7 =	vld [tilespmem:s0+$0x2000];
	_ =	sdelay $0x4  }
0x13a: {  	vm1 =	vgt.s32 v7, $0x0  }
0x13b: {  	v8 =	vmpcnt.ones.xlane vm1;
	_ =	sdelay $0x1  }
0x13c: {  	(v2sf) =	vpush v8, $0x0;
	_ =	sdelay $0x3  }
0x13d: {  	s1 =	rddreg [dreg:$0x5]  }
0x13e: {  	v9 =	vor.u32 s1, v2;
	s0 =	simm.s32 $0x0  }
0x13f: {  	v7 =	vadd.s32 $0xFFFFFFFF, v7;
	[tilespmem:s0+$0x3000] =	vst.msk vm1, v9  }
0x140: {  	s29 =	simm.s32 $0x10;
	s28 =	simm.s32 $0x80;
	[tilespmem:s0+$0x4080] =	vst.msk vm1, v7  }
.LBB2_37:
0x141: {  	p0 =	sne.s32 s28, $0x3FC0;
	v7 =	vld [tilespmem:s29+$0x2000];
	_ =	sdelay $0x4  }
0x142: {  	vm1 =	vgt.s32 v7, $0x0;
	v7 =	vadd.s32 $0xFFFFFFFF, v7  }
0x143: {  	v8 =	vmpcnt.ones.xlane vm1  }
0x144: {  	s1 =	sadd.s32 $0x10, s1;
	s16 =	spop (v2sf)  }
0x145: {  	v9 =	vor.u32 s1, v2;
	(v2sf) =	vpush v8, $0x0;
	s0 =	sadd.s32 s0, s16  }
0x146: {  	[tilespmem:s0+$0x3000] =	vst.msk vm1, v9  }
0x147: {  	[tilespmem:s0+$0x4080] =	vst.msk vm1, v7  }
.Ltmp28:
0x148: {  	(pc) =	sbr.rel @p0 .LBB2_37-.Ltmp28, $2  }
0x149: {  	_ =	sdelay $0x2  }
0x14a: {  	s29 =	sshra.s32 s28, $0x2;
	s28 =	sadd.s32 $0x40, s28  }
0x14b: {  	v7 =	vld [tilespmem:s29+$0x2000];
	_ =	sdelay $0x4  }
0x14c: {  	vm1 =	vgt.s32 v7, $0x0  }
0x14d: {  	v8 =	vmpcnt.ones.xlane vm1;
	_ =	sdelay $0x1  }
0x14e: {  	(v2sf) =	vpush v8, $0x0;
	_ =	sdelay $0xd  }
0x14f: {  	s16 =	spop (v2sf)  }
0x150: {  	s1 =	sadd.s32 $0x10, s1;
	s0 =	sadd.s32 s0, s16;
	s29 =	spop (v2sf)  }
0x151: {  	v8 =	vor.u32 s1, v2;
	s1 =	sadd.s32 s0, s29  }
0x152: {  	s16 =	sadd.s32 $0x1F, s1  }
0x153: {  	s30 =	sand.u32 $0x1F, s16  }
0x154: {  	s25 =	sshra.s32 s16, $0x1F;
	p1 =	slt.s32 s16, $0x1;
	p2 =	sne.s32 s30, $0x0  }
0x155: {  	v7 =	vadd.s32 $0xFFFFFFFF, v7;
	[tilespmem:s0+$0x3000] =	vst.msk vm1, v8;
	s31 =	sshrl.u32 s25, $0x1B;
	p1 =	por !p1, !p2  }
0x156: {  	[tilespmem:s0+$0x4080] =	vst.msk vm1, v7;
	s0 =	sadd.s32 s31, s16;
	s16 =	simm.s32 $0x1;
	p1 =	por !p1, !p1  }
0x157: {  	p0 =	slt.s32 s1, $0x1;
	s0 =	sshra.s32 s0, $0x5;
	s16 =	simm.s32 @!p1 $0x0  }
0x158: {  	s18 =	sand.u32 @!p0 $0x7FFFFFF0, s1;
	v7 =	vld.msk @!p0 [tilespmem:$0x3000 ss:$0x0], $0xffff;
	v11 =	vlaneseq.u32 @!p0;
	s28 =	ssub.s32 s0, s16  }
0x159: {  	v8 =	vld.msk @!p0 [tilespmem:$0x4080 ss:$0x0], $0xffff;
	v11 =	vor.u32 @!p0 s18, v11;
	s0 =	sshrl.u32 @!p0 s1, $0x4;
	s16 =	sshll.u32 @!p0 s28, $0x5  }
0x15a: {  	v9 =	vld @!p0 [tilespmem:s18+$0x3000];
	vm1 =	vlt.s32 @!p0 v11, s1;
	s1 =	sshra.s32 @!p0 s16, $0x4;
	s16 =	sadd.s32 @!p0 $0x1, s0  }
0x15b: {  	v10 =	vld @!p0 [tilespmem:s18+$0x4080];
	p1 =	sge.s32 @!p0 s16, s1  }
0x15c: {  	p1 =	por p0, p1  }
.Ltmp29:
0x15d: {  	_ = 	snop;
	(pc) =	sbr.rel @p1 .LBB2_42-.Ltmp29, $4  }
0x15e: {  	_ = 	snop  }
0x15f: {  	v9 =	vsel @!p0 vm1, v9, v7  }
0x160: {  	[tilespmem:s18+$0x3000] =	vst @!p0 v9;
	v9 =	vsel @!p0 vm1, v10, v8  }
0x161: {  	[tilespmem:s18+$0x4080] =	vst @!p0 v9  }
0x162: {  	s1 =	ssub.s32 s0, s1  }
0x163: {  	s1 =	sadd.s32 $0x1, s1  }
0x164: {  	s31 =	sshll.u32 s0, $0x6;
	s0 =	sadd.s32 $0x1, s1  }
0x165: {  	p0 =	seq.s32 s0, $0x0  }
.Ltmp30:
0x166: {  	_ = 	snop;
	(pc) =	sbr.rel @p0 .LBB2_41-.Ltmp30, $4  }
0x167: {  	_ = 	snop  }
0x168: {  	s16 =	sshra.s32 s31, $0x2  }
0x169: {  	s1 =	sadd.s32 $0x3010, s16  }
0x16a: {  	s29 =	sadd.s32 $0x4090, s16;
	[tilespmem:s1+$0x0] =	vst v7  }
.LBB2_40:
0x16b: {  	s0 =	sadd.s32 $0x1, s0  }
0x16c: {  	[tilespmem:s29+$0x0] =	vst v8;
	s1 =	sadd.s32 $0x10, s1;
	s29 =	sadd.s32 $0x10, s29;
	p0 =	seq.s32 s0, $0x0  }
.Ltmp31:
0x16d: {  	(pc) =	sbr.rel @!p0 .LBB2_40-.Ltmp31, $2  }
0x16e: {  	_ =	sdelay $0x2  }
0x16f: {  	[tilespmem:s1+$0x0] =	vst v7  }
.LBB2_41:
0x170: {  	[tilespmem:s29+$0x0] =	vst v8  }
.LBB2_42:
0x171: {  	p0 =	slt.s32 s28, $0x1  }
.Ltmp32:
0x172: {  	_ = 	snop;
	(pc) =	sbr.rel @p0 .LBB2_48-.Ltmp32, $1  }
0x173: {  	_ =	sdelay $0x3  }
0x174: {  	v7 =	vld [tilespmem:$0x4080];
	_ =	sdelay $0x4  }
0x175: {  	[tilespmem:$0x5100] =	vst v7  }
0x176: {  	v7 =	vld [tilespmem:$0x5100];
	_ =	sdelay $0x4  }
0x177: {  	v8 =	vshll.u32 v7, $0x2  }
0x178: {  	v7 =	vand.u32 $0x7, v7;
	v8 =	vand.u32 $0xFFFFFFE0, v8  }
0x179: {  	v9 =	vld [tilespmem:$0x3000];
	v7 =	vor.u32 v7, v8  }
0x17a: {  	v11 =	vld [tilespmem:$0x3010];
	v10 =	vperm.xlane v7, v4  }
0x17b: {  	v8 =	vld [tilespmem:$0x4090]  }
0x17c: {  	v10 =	vadd.s32 v5, v10;
	_ =	sdelay $0x1  }
0x17d: {  	[tilespmem:$0x5180] =	vst v9;
	v7 =	vperm.xlane v7, v6  }
0x17e: {  	[tilespmem:$0x5190] =	vst v11  }
0x17f: {  	s29 =	simm.s32 $0x0;
	s0 =	simm.s32 $0x5300;
	v7 =	vadd.s32 v5, v7;
	[tilespmem:$0x5110] =	vst v8  }
0x180: {  	[tilespmem:s0], [sflag:$0xD] =	stream.indirect_vreg.gather [hbm4b:s6+s29], $0x80, v10, vm0, $0xb8;
	[tilespmem:$0x1D300] =	vst v63  }
0x181: {  	s31 =	simm.s32 $0x5B00  }
0x182: {  	[tilespmem:s31], [sflag:$0xD] =	stream.indirect_vreg.gather [hbm4b:s11+s29], $0x80, v10, vm0, $0xb8;
	[tilespmem:$0x1D300] =	vst v63  }
0x183: {  	s1 =	simm.s32 $0x6300  }
0x184: {  	[tilespmem:s1], [sflag:$0xD] =	stream.indirect_vreg.gather [hbm4b:s6+s29], $0x80, v7, vm0, $0xb8;
	[tilespmem:$0x1D300] =	vst v63  }
0x185: {  	s16 =	simm.s32 $0x6B00  }
0x186: {  	[tilespmem:s16], [sflag:$0xD] =	stream.indirect_vreg.gather [hbm4b:s11+s29], $0x80, v7, vm0, $0xb8;
	[tilespmem:$0x1D300] =	vst v63  }
0x187: {  	v7 =	vld [tilespmem:$0x5110];
	_ =	sdelay $0x4  }
0x188: {  	v8 =	vshll.u32 v7, $0x2  }
0x189: {  	v7 =	vand.u32 $0x7, v7;
	v8 =	vand.u32 $0xFFFFFFE0, v8  }
0x18a: {  	v7 =	vor.u32 v7, v8  }
0x18b: {  	v8 =	vperm.xlane v7, v4;
	_ =	sdelay $0x1  }
0x18c: {  	v8 =	vadd.s32 v5, v8;
	_ =	sdelay $0x2  }
0x18d: {  	v7 =	vperm.xlane v7, v6  }
0x18e: {  	s18 =	simm.s32 $0x7300  }
0x18f: {  	v7 =	vadd.s32 v5, v7;
	[tilespmem:s18], [sflag:$0xD] =	stream.indirect_vreg.gather [hbm4b:s6+s29], $0x80, v8, vm0, $0xb8;
	[tilespmem:$0x1D300] =	vst v63  }
0x190: {  	s25 =	simm.s32 $0x7B00  }
0x191: {  	[tilespmem:s25], [sflag:$0xD] =	stream.indirect_vreg.gather [hbm4b:s11+s29], $0x80, v8, vm0, $0xb8;
	[tilespmem:$0x1D300] =	vst v63  }
.Ltmp33:
0x192: {  	_ = 	snop;
	(pc) =	sbr.rel .LBB2_44-.Ltmp33, $4  }
0x193: {  	s30 =	simm.s32 $0x8300  }
0x194: {  	[tilespmem:s30], [sflag:$0xD] =	stream.indirect_vreg.gather [hbm4b:s6+s29], $0x80, v7, vm0, $0xb8;
	[tilespmem:$0x1D300] =	vst v63  }
0x195: {  	s31 =	simm.s32 $0x8B00  }
0x196: {  	[tilespmem:s31], [sflag:$0xD] =	stream.indirect_vreg.gather [hbm4b:s11+s29], $0x80, v7, vm0, $0xb8;
	[tilespmem:$0x1D300] =	vst v63  }
.LBB2_46:
0x197: {  	p0 =	sne.s32 s30, s28  }
.Ltmp34:
0x198: {  	_ = 	snop;
	(pc) =	sbr.rel @!p0 .LBB2_47-.Ltmp34, $2  }
0x199: {  	_ =	sdelay $0x2  }
0x19a: {  	s29 =	smov.u32 s30  }
.LBB2_44:
0x19b: {  	s0 =	sand.u32 $0x1, s29  }
0x19c: {  	p0 =	seq.s32 s0, $0x1  }
0x19d: {  	s1 =	simm.s32 @!p0 $0xD  }
0x19e: {  	_ =	swait.ge @!p0 [sflag:s1], $0x4000  }
0x19f: {  	[sflag:s1] =	ssyncset.done @!p0 $0x0  }
0x1a0: {  	[sflag:s1] =	ssyncadd.s32 @!p0 $0xFFFFC000  }
0x1a1: {  	v7 =	vld @!p0 [tilespmem:$0x5180];
	_ =	sdelay $0x4  }
0x1a2: {  	v8 =	vshll.u32 @!p0 v7, $0x2  }
0x1a3: {  	v9 =	vlaneseq.u32 @!p0;
	v7 =	vand.u32 @!p0 $0x7, v7;
	v8 =	vand.u32 @!p0 $0xFFFFFFE0, v8  }
0x1a4: {  	v10 =	vshrl.u32 @!p0 v9, $0x3;
	v7 =	vor.u32 @!p0 v7, v8;
	v8 =	vand.u32 @!p0 $0x7, v9  }
0x1a5: {  	v10 =	vmul.u32 @!p0 $0x8, v10;
	v11 =	vperm.xlane @!p0 v7, v8;
	_ =	sdelay $0x1  }
0x1a6: {  	v11 =	vadd.s32 @!p0 v10, v11  }
0x1a7: {  	v9 =	vor.u32 @!p0 $0x8, v9  }
0x1a8: {  	v7 =	vperm.xlane @!p0 v7, v9;
	_ =	sdelay $0x1  }
0x1a9: {  	vm1 =	vmmov @!p0 $0xffff;
	s16 =	simm.s32 @!p0 $0x5300;
	s1 =	simm.s32 @!p0 $0x0;
	v7 =	vadd.s32 @!p0 v10, v7  }
0x1aa: {  	[hbm4b:s8+s1] =	stream.indirect_vreg.scatter @!p0 [tilespmem:s16], [sflag:$0xF], $0x80, v11, vm1, $0xb8;
	[tilespmem:$0x1D300] =	vst v63  }
0x1ab: {  	s16 =	simm.s32 @!p0 $0x5B00  }
0x1ac: {  	[hbm4b:s12+s1] =	stream.indirect_vreg.scatter @!p0 [tilespmem:s16], [sflag:$0xF], $0x80, v11, vm1, $0xb8;
	[tilespmem:$0x1D300] =	vst v63  }
0x1ad: {  	s16 =	simm.s32 @!p0 $0x6300  }
0x1ae: {  	[hbm4b:s8+s1] =	stream.indirect_vreg.scatter @!p0 [tilespmem:s16], [sflag:$0xF], $0x80, v7, vm1, $0xb8;
	[tilespmem:$0x1D300] =	vst v63  }
0x1af: {  	s16 =	simm.s32 @!p0 $0x6B00  }
0x1b0: {  	[hbm4b:s12+s1] =	stream.indirect_vreg.scatter @!p0 [tilespmem:s16], [sflag:$0xF], $0x80, v7, vm1, $0xb8;
	[tilespmem:$0x1D300] =	vst v63  }
0x1b1: {  	v7 =	vld @!p0 [tilespmem:$0x5190];
	_ =	sdelay $0x4  }
0x1b2: {  	v11 =	vshll.u32 @!p0 v7, $0x2  }
0x1b3: {  	v7 =	vand.u32 @!p0 $0x7, v7;
	v11 =	vand.u32 @!p0 $0xFFFFFFE0, v11  }
0x1b4: {  	v7 =	vor.u32 @!p0 v7, v11  }
0x1b5: {  	v8 =	vperm.xlane @!p0 v7, v8;
	_ =	sdelay $0x1  }
0x1b6: {  	v8 =	vadd.s32 @!p0 v10, v8;
	_ =	sdelay $0x1  }
0x1b7: {  	s30 =	sor.u32 @!p0 $0x1, s29;
	v7 =	vperm.xlane @!p0 v7, v9  }
0x1b8: {  	p2 =	sge.s32 @!p0 s30, s28  }
0x1b9: {  	p1 =	por p2, p0;
	s16 =	simm.s32 @!p0 $0x7300;
	v7 =	vadd.s32 @!p0 v10, v7  }
0x1ba: {  	[hbm4b:s8+s1] =	stream.indirect_vreg.scatter @!p0 [tilespmem:s16], [sflag:$0xF], $0x80, v8, vm1, $0xb8;
	[tilespmem:$0x1D300] =	vst v63  }
0x1bb: {  	p3 =	seq.s32 @!p1 s29, $0x0;
	s16 =	simm.s32 @!p0 $0x7B00  }
0x1bc: {  	[hbm4b:s12+s1] =	stream.indirect_vreg.scatter @!p0 [tilespmem:s16], [sflag:$0xF], $0x80, v8, vm1, $0xb8;
	[tilespmem:$0x1D300] =	vst v63  }
0x1bd: {  	p2 =	por @!p0 p3, p2;
	s16 =	simm.s32 @!p0 $0x8300  }
0x1be: {  	[hbm4b:s8+s1] =	stream.indirect_vreg.scatter @!p0 [tilespmem:s16], [sflag:$0xF], $0x80, v7, vm1, $0xb8;
	[tilespmem:$0x1D300] =	vst v63  }
0x1bf: {  	p2 =	por p2, p0;
	s16 =	simm.s32 @!p0 $0x8B00  }
0x1c0: {  	[hbm4b:s12+s1] =	stream.indirect_vreg.scatter @!p0 [tilespmem:s16], [sflag:$0xF], $0x80, v7, vm1, $0xb8;
	[tilespmem:$0x1D300] =	vst v63  }
0x1c1: {  	s1 =	simm.s32 @!p2 $0x10  }
0x1c2: {  	_ =	swait.ge @!p2 [sflag:s1], $0x4000  }
0x1c3: {  	[sflag:s1] =	ssyncset.done @!p2 $0x0  }
0x1c4: {  	[sflag:s1] =	ssyncadd.s32 @!p2 $0xFFFFC000;
	s1 =	sshll.u32 @!p1 s30, $0x5  }
0x1c5: {  	v7 =	vld @!p1 [tilespmem:s1+$0x4080];
	_ =	sdelay $0x4  }
0x1c6: {  	[tilespmem:$0x5200] =	vst @!p1 v7  }
0x1c7: {  	v7 =	vld @!p1 [tilespmem:s1+$0x3000];
	_ =	sdelay $0x2  }
0x1c8: {  	v8 =	vld @!p1 [tilespmem:$0x5200];
	_ =	sdelay $0x1  }
0x1c9: {  	[tilespmem:$0x5280] =	vst @!p1 v7  }
0x1ca: {  	v7 =	vld @!p1 [tilespmem:s1+$0x4090];
	_ =	sdelay $0x1  }
0x1cb: {  	v9 =	vshll.u32 @!p1 v8, $0x2  }
0x1cc: {  	v10 =	vlaneseq.u32 @!p1;
	v8 =	vand.u32 @!p1 $0x7, v8;
	v9 =	vand.u32 @!p1 $0xFFFFFFE0, v9  }
0x1cd: {  	v11 =	vshrl.u32 @!p1 v10, $0x3;
	v8 =	vor.u32 @!p1 v8, v9;
	v9 =	vand.u32 @!p1 $0x7, v10  }
0x1ce: {  	v11 =	vmul.u32 @!p1 $0x8, v11;
	[tilespmem:$0x5210] =	vst @!p1 v7;
	v7 =	vperm.xlane @!p1 v8, v9  }
0x1cf: {  	v12 =	vld @!p1 [tilespmem:s1+$0x3010]  }
0x1d0: {  	v7 =	vadd.s32 @!p1 v11, v7  }
0x1d1: {  	v10 =	vor.u32 @!p1 $0x8, v10  }
0x1d2: {  	v8 =	vperm.xlane @!p1 v8, v10;
	_ =	sdelay $0x1  }
0x1d3: {  	vm1 =	vmmov @!p1 $0xffff;
	s16 =	simm.s32 @!p1 $0x9300;
	s1 =	simm.s32 @!p1 $0x0;
	v8 =	vadd.s32 @!p1 v11, v8;
	[tilespmem:$0x5290] =	vst @!p1 v12  }
0x1d4: {  	[tilespmem:s16], [sflag:$0xE] =	stream.indirect_vreg.gather @!p1 [hbm4b:s6+s1], $0x80, v7, vm1, $0xb8;
	[tilespmem:$0x1D300] =	vst v63  }
0x1d5: {  	s16 =	simm.s32 @!p1 $0x9B00  }
0x1d6: {  	[tilespmem:s16], [sflag:$0xE] =	stream.indirect_vreg.gather @!p1 [hbm4b:s11+s1], $0x80, v7, vm1, $0xb8;
	[tilespmem:$0x1D300] =	vst v63  }
0x1d7: {  	s16 =	simm.s32 @!p1 $0xA300  }
0x1d8: {  	[tilespmem:s16], [sflag:$0xE] =	stream.indirect_vreg.gather @!p1 [hbm4b:s6+s1], $0x80, v8, vm1, $0xb8;
	[tilespmem:$0x1D300] =	vst v63  }
0x1d9: {  	s16 =	simm.s32 @!p1 $0xAB00  }
0x1da: {  	[tilespmem:s16], [sflag:$0xE] =	stream.indirect_vreg.gather @!p1 [hbm4b:s11+s1], $0x80, v8, vm1, $0xb8;
	[tilespmem:$0x1D300] =	vst v63  }
0x1db: {  	v7 =	vld @!p1 [tilespmem:$0x5210];
	_ =	sdelay $0x4  }
0x1dc: {  	v8 =	vshll.u32 @!p1 v7, $0x2  }
0x1dd: {  	v7 =	vand.u32 @!p1 $0x7, v7;
	v8 =	vand.u32 @!p1 $0xFFFFFFE0, v8  }
0x1de: {  	v7 =	vor.u32 @!p1 v7, v8  }
0x1df: {  	v8 =	vperm.xlane @!p1 v7, v9;
	_ =	sdelay $0x1  }
0x1e0: {  	v8 =	vadd.s32 @!p1 v11, v8;
	_ =	sdelay $0x1  }
0x1e1: {  	v7 =	vperm.xlane @!p1 v7, v10;
	_ =	sdelay $0x1  }
0x1e2: {  	s16 =	simm.s32 @!p1 $0xB300;
	v7 =	vadd.s32 @!p1 v11, v7  }
0x1e3: {  	[tilespmem:s16], [sflag:$0xE] =	stream.indirect_vreg.gather @!p1 [hbm4b:s6+s1], $0x80, v8, vm1, $0xb8;
	[tilespmem:$0x1D300] =	vst v63  }
0x1e4: {  	s16 =	simm.s32 @!p1 $0xBB00  }
0x1e5: {  	[tilespmem:s16], [sflag:$0xE] =	stream.indirect_vreg.gather @!p1 [hbm4b:s11+s1], $0x80, v8, vm1, $0xb8;
	[tilespmem:$0x1D300] =	vst v63  }
0x1e6: {  	s16 =	simm.s32 @!p1 $0xC300  }
0x1e7: {  	[tilespmem:s16], [sflag:$0xE] =	stream.indirect_vreg.gather @!p1 [hbm4b:s6+s1], $0x80, v7, vm1, $0xb8;
	[tilespmem:$0x1D300] =	vst v63  }
0x1e8: {  	s16 =	simm.s32 @!p1 $0xCB00  }
0x1e9: {  	[tilespmem:s16], [sflag:$0xE] =	stream.indirect_vreg.gather @!p1 [hbm4b:s11+s1], $0x80, v7, vm1, $0xb8;
	[tilespmem:$0x1D300] =	vst v63  }
0x1ea: {  	p1 =	seq.s32 @!p0 s0, $0x0  }
0x1eb: {  	p0 =	por p0, !p1  }
.Ltmp35:
0x1ec: {  	_ = 	snop;
	(pc) =	sbr.rel @!p0 .LBB2_46-.Ltmp35, $1  }
0x1ed: {  	_ =	sdelay $0x3  }
0x1ee: {  	_ =	swait.ge [sflag:s26], $0x4000  }
0x1ef: {  	[sflag:s26] =	ssyncset.done $0x0  }
0x1f0: {  	[sflag:s26] =	ssyncadd.s32 $0xFFFFC000  }
0x1f1: {  	v7 =	vld [tilespmem:$0x5280];
	_ =	sdelay $0x4  }
0x1f2: {  	v8 =	vshll.u32 v7, $0x2  }
0x1f3: {  	v7 =	vand.u32 $0x7, v7;
	v8 =	vand.u32 $0xFFFFFFE0, v8  }
0x1f4: {  	v7 =	vor.u32 v7, v8  }
0x1f5: {  	v8 =	vperm.xlane v7, v4;
	_ =	sdelay $0x1  }
0x1f6: {  	v8 =	vadd.s32 v5, v8;
	_ =	sdelay $0x1  }
0x1f7: {  	v7 =	vperm.xlane v7, v6;
	_ =	sdelay $0x1  }
0x1f8: {  	s0 =	simm.s32 $0x9300;
	v7 =	vadd.s32 v5, v7  }
0x1f9: {  	[hbm4b:s8+s4] =	stream.indirect_vreg.scatter [tilespmem:s0], [sflag:$0x10], $0x80, v8, vm0, $0xb8;
	[tilespmem:$0x1D300] =	vst v63  }
0x1fa: {  	s25 =	simm.s32 $0x9B00  }
0x1fb: {  	[hbm4b:s12+s4] =	stream.indirect_vreg.scatter [tilespmem:s25], [sflag:$0x10], $0x80, v8, vm0, $0xb8;
	[tilespmem:$0x1D300] =	vst v63  }
0x1fc: {  	s31 =	simm.s32 $0xA300  }
0x1fd: {  	[hbm4b:s8+s4] =	stream.indirect_vreg.scatter [tilespmem:s31], [sflag:$0x10], $0x80, v7, vm0, $0xb8;
	[tilespmem:$0x1D300] =	vst v63  }
0x1fe: {  	s1 =	simm.s32 $0xAB00  }
0x1ff: {  	[hbm4b:s12+s4] =	stream.indirect_vreg.scatter [tilespmem:s1], [sflag:$0x10], $0x80, v7, vm0, $0xb8;
	[tilespmem:$0x1D300] =	vst v63  }
0x200: {  	v7 =	vld [tilespmem:$0x5290];
	_ =	sdelay $0x4  }
0x201: {  	v8 =	vshll.u32 v7, $0x2  }
0x202: {  	v7 =	vand.u32 $0x7, v7;
	v8 =	vand.u32 $0xFFFFFFE0, v8  }
0x203: {  	v7 =	vor.u32 v7, v8  }
0x204: {  	v8 =	vperm.xlane v7, v4;
	_ =	sdelay $0x1  }
0x205: {  	v8 =	vadd.s32 v5, v8;
	_ =	sdelay $0x1  }
0x206: {  	v7 =	vperm.xlane v7, v6;
	_ =	sdelay $0x1  }
0x207: {  	s16 =	simm.s32 $0xB300;
	v7 =	vadd.s32 v5, v7  }
0x208: {  	[hbm4b:s8+s4] =	stream.indirect_vreg.scatter [tilespmem:s16], [sflag:$0x10], $0x80, v8, vm0, $0xb8;
	[tilespmem:$0x1D300] =	vst v63  }
0x209: {  	s18 =	simm.s32 $0xBB00;
	s30 =	sadd.s32 $0x1, s29  }
0x20a: {  	[hbm4b:s12+s4] =	stream.indirect_vreg.scatter [tilespmem:s18], [sflag:$0x10], $0x80, v8, vm0, $0xb8;
	[tilespmem:$0x1D300] =	vst v63  }
0x20b: {  	p0 =	sge.s32 s30, s28;
	s25 =	simm.s32 $0xC300  }
0x20c: {  	[hbm4b:s8+s4] =	stream.indirect_vreg.scatter [tilespmem:s25], [sflag:$0x10], $0x80, v7, vm0, $0xb8;
	[tilespmem:$0x1D300] =	vst v63  }
0x20d: {  	s0 =	simm.s32 @!p0 $0xF;
	s31 =	simm.s32 $0xCB00  }
0x20e: {  	[hbm4b:s12+s4] =	stream.indirect_vreg.scatter [tilespmem:s31], [sflag:$0x10], $0x80, v7, vm0, $0xb8;
	[tilespmem:$0x1D300] =	vst v63  }
0x20f: {  	_ =	swait.ge @!p0 [sflag:s0], $0x4000  }
0x210: {  	[sflag:s0] =	ssyncset.done @!p0 $0x0  }
0x211: {  	[sflag:s0] =	ssyncadd.s32 @!p0 $0xFFFFC000;
	s0 =	sshll.u32 @!p0 s30, $0x5  }
0x212: {  	v7 =	vld @!p0 [tilespmem:s0+$0x4080];
	_ =	sdelay $0x4  }
0x213: {  	[tilespmem:$0x5100] =	vst @!p0 v7  }
0x214: {  	v7 =	vld @!p0 [tilespmem:s0+$0x3000];
	_ =	sdelay $0x2  }
0x215: {  	v8 =	vld @!p0 [tilespmem:$0x5100];
	_ =	sdelay $0x1  }
0x216: {  	[tilespmem:$0x5180] =	vst @!p0 v7  }
0x217: {  	v7 =	vld @!p0 [tilespmem:s0+$0x4090];
	_ =	sdelay $0x1  }
0x218: {  	v9 =	vshll.u32 @!p0 v8, $0x2  }
0x219: {  	v10 =	vlaneseq.u32 @!p0;
	v8 =	vand.u32 @!p0 $0x7, v8;
	v9 =	vand.u32 @!p0 $0xFFFFFFE0, v9  }
0x21a: {  	v11 =	vshrl.u32 @!p0 v10, $0x3;
	v8 =	vor.u32 @!p0 v8, v9;
	v9 =	vand.u32 @!p0 $0x7, v10  }
0x21b: {  	v11 =	vmul.u32 @!p0 $0x8, v11;
	[tilespmem:$0x5110] =	vst @!p0 v7;
	v7 =	vperm.xlane @!p0 v8, v9  }
0x21c: {  	v12 =	vld @!p0 [tilespmem:s0+$0x3010]  }
0x21d: {  	v7 =	vadd.s32 @!p0 v11, v7  }
0x21e: {  	v10 =	vor.u32 @!p0 $0x8, v10  }
0x21f: {  	v8 =	vperm.xlane @!p0 v8, v10;
	_ =	sdelay $0x1  }
0x220: {  	vm1 =	vmmov @!p0 $0xffff;
	s1 =	simm.s32 @!p0 $0x5300;
	s0 =	simm.s32 @!p0 $0x0;
	v8 =	vadd.s32 @!p0 v11, v8;
	[tilespmem:$0x5190] =	vst @!p0 v12  }
0x221: {  	[tilespmem:s1], [sflag:$0xD] =	stream.indirect_vreg.gather @!p0 [hbm4b:s6+s0], $0x80, v7, vm1, $0xb8;
	[tilespmem:$0x1D300] =	vst v63  }
0x222: {  	s1 =	simm.s32 @!p0 $0x5B00  }
0x223: {  	[tilespmem:s1], [sflag:$0xD] =	stream.indirect_vreg.gather @!p0 [hbm4b:s11+s0], $0x80, v7, vm1, $0xb8;
	[tilespmem:$0x1D300] =	vst v63  }
0x224: {  	s1 =	simm.s32 @!p0 $0x6300  }
0x225: {  	[tilespmem:s1], [sflag:$0xD] =	stream.indirect_vreg.gather @!p0 [hbm4b:s6+s0], $0x80, v8, vm1, $0xb8;
	[tilespmem:$0x1D300] =	vst v63  }
0x226: {  	s1 =	simm.s32 @!p0 $0x6B00  }
0x227: {  	[tilespmem:s1], [sflag:$0xD] =	stream.indirect_vreg.gather @!p0 [hbm4b:s11+s0], $0x80, v8, vm1, $0xb8;
	[tilespmem:$0x1D300] =	vst v63  }
0x228: {  	v7 =	vld @!p0 [tilespmem:$0x5110];
	_ =	sdelay $0x4  }
0x229: {  	v8 =	vshll.u32 @!p0 v7, $0x2  }
0x22a: {  	v7 =	vand.u32 @!p0 $0x7, v7;
	v8 =	vand.u32 @!p0 $0xFFFFFFE0, v8  }
0x22b: {  	v7 =	vor.u32 @!p0 v7, v8  }
0x22c: {  	v8 =	vperm.xlane @!p0 v7, v9;
	_ =	sdelay $0x1  }
0x22d: {  	v8 =	vadd.s32 @!p0 v11, v8;
	_ =	sdelay $0x2  }
0x22e: {  	v7 =	vperm.xlane @!p0 v7, v10  }
0x22f: {  	s1 =	simm.s32 @!p0 $0x7300  }
0x230: {  	v7 =	vadd.s32 @!p0 v11, v7;
	[tilespmem:s1], [sflag:$0xD] =	stream.indirect_vreg.gather @!p0 [hbm4b:s6+s0], $0x80, v8, vm1, $0xb8;
	[tilespmem:$0x1D300] =	vst v63  }
0x231: {  	s1 =	simm.s32 @!p0 $0x7B00  }
0x232: {  	[tilespmem:s1], [sflag:$0xD] =	stream.indirect_vreg.gather @!p0 [hbm4b:s11+s0], $0x80, v8, vm1, $0xb8;
	[tilespmem:$0x1D300] =	vst v63  }
.Ltmp36:
0x233: {  	_ = 	snop;
	(pc) =	sbr.rel .LBB2_46-.Ltmp36, $4  }
0x234: {  	s1 =	simm.s32 @!p0 $0x8300  }
0x235: {  	[tilespmem:s1], [sflag:$0xD] =	stream.indirect_vreg.gather @!p0 [hbm4b:s6+s0], $0x80, v7, vm1, $0xb8;
	[tilespmem:$0x1D300] =	vst v63  }
0x236: {  	s1 =	simm.s32 @!p0 $0x8B00  }
0x237: {  	[tilespmem:s1], [sflag:$0xD] =	stream.indirect_vreg.gather @!p0 [hbm4b:s11+s0], $0x80, v7, vm1, $0xb8;
	[tilespmem:$0x1D300] =	vst v63  }
.LBB2_49:
0x238: {  	_ =	sfence.sel $0x180000  }
0x239: {  	[bflag:$0x0] =	sbarrier.arrive $0xFFFF  }
0x23a: {  	_ =	strace $0x9000004D  }
0x23b: {  	s0 =	stileid.u32;
	[bflag:$0x2] =	sbarrier.arrive $0xFFFF  }
0x23c: {  	p0 =	sne.s32 s0, $0x0;
	s0 =	rddreg [dreg:$0x4]  }
0x23d: {  	s0 =	sadd.s32 @!p0 $0x100000, s0  }
0x23e: {  	[sflag:s0] =	ssyncadd.tile.s32 @!p0 $0x1;
	_ =	shalt  }
.Lfunc_end2:
_tile_overlayer_lowered:
.L_overlay_start_2:
0x23f: {  	(tag) =	ssettag $0x2  }
0x240: {  	s0 =	rddreg [dreg:$0x0];
	s2 =	stileid.u32  }
0x241: {  	s1 =	rddreg [dreg:$0x1];
	p0 =	sne.s32 s2, $0x0  }
0x242: {  	s3 =	rddreg [dreg:$0x2];
	[bflag:$0x3] =	sbarrier.arrive $0xFFFF;
	s2 =	simm.s32 @!p0 $0x1C11  }
0x243: {  	[timem:s3], [sflag:s2] =	dma.local @!p0 [hbm:s0], s1  }
0x244: {  	s0 =	simm.s32 @!p0 $0x11  }
0x245: {  	_ =	swait.ge @!p0 [sflag:s0], s1  }
0x246: {  	s1 =	ssub.s32 @!p0 $0x0, s1;
	[sflag:s0] =	ssyncset.done @!p0 $0x0  }
0x247: {  	[sflag:s0] =	ssyncadd.s32 @!p0 s1  }
0x248: {  	[bflag:$0x3] =	sbarrier.arrive $0xFFFF  }
0x249: {  	_ =	shalt  }

// kernel: sparse-core-data-format-call.1.cloned.1.call-start
scs
called_computation.1_lowered:
.L_overlay_start_0:
0x0: {  	s2 =	sld [smem:$0x3FD9]  }
0x1: {  	s3 =	sld [smem:$0x3FFE];
	_ =	sdelay $0x1  }
0x2: {  	s1 =	srdreg.scid  }
0x3: {  	s0 =	sand.u32 $0x1, s1  }
0x4: {  	s18 =	sshll.u32 s0, $0xA;
	s2 =	sadd.s32 s3, s2  }
0x5: {  	s2 =	sadd.s32 s2, s18  }
0x6: {  	[smem:$0x3FC4] =	sst s2  }
0x7: {  	_ = 	snop  }
0x8: {  	s2 =	sld [smem:$0x3FC9];
	(tm) =	ssettm $0x1  }
0x9: {  	s19 =	sld [smem:$0x3FFB];
	_ =	sdelay $0x3  }
0xa: {  	_ =	strace s19  }
0xb: {  	s3 =	sld [smem:$0x3FFC];
	_ =	sdelay $0x3  }
0xc: {  	_ =	strace s3  }
0xd: {  	s3 =	sld [smem:$0x3FFD];
	_ =	sdelay $0x3  }
0xe: {  	_ =	strace s3  }
0xf: {  	_ =	strace $0x8FFFFFFF  }
0x10: {  	s20 =	sld [smem:$0x3FDB];
	_ =	sdelay $0x1  }
0x11: {  	s4 =	simm.s32 $_scs_section_size  }
0x12: {  	s5 =	simm.s32 $_size__tile_overlayer_lowered;
	s6 =	simm.s32 $_tile_overlayer_lowered  }
0x13: {  	s23 =	simm.s32 $0x1BFF;
	s22 =	sshll.u32 s6, $0x1;
	s3 =	sadd.s32 s4, s20  }
0x14: {  	s7 =	simm.s32 $0x0;
	s21 =	sshll.u32 s5, $0x1;
	s5 =	sadd.s32 s22, s3  }
0x15: {  	[timem:s7], [sflag:s23] =	dma.local [hbm:s5], s21  }
0x16: {  	_ =	swait.ge [sflag:s23], s21  }
0x17: {  	s4 =	ssub.s32 $0x0, s21;
	[sflag:s23] =	ssyncset.done $0x0  }
0x18: {  	[sflag:s23] =	ssyncadd.s32 s4;
	_ =	sdelay $0x1  }
0x19: {  	s24 =	simm.s32 $0x1B8B  }
0x1a: {  	_ =	swait.ge [sflag:s24], $0x1  }
0x1b: {  	[sflag:s24] =	ssyncset.done $0x0  }
0x1c: {  	s26 =	simm.s32 $0x1B8E;
	s25 =	sld [smem:$0x3FFE];
	[sflag:s24] =	ssyncadd.s32 $0xFFFFFFFF  }
0x1d: {  	s27 =	simm.s32 $execute0_lowered;
	[smem:$0x3FD2] =	sst s26  }
0x1e: {  	s5 =	sshll.u32 s27, $0x1;
	_ =	strace $0x80000046;
	[dreg:$0x1] =	wrdreg $0xFFFFFFFF  }
0x1f: {  	s28 =	simm.s32 $_size_execute0_lowered;
	s3 =	sadd.s32 s3, s5;
	[dreg:$0x0] =	wrdreg $0x0  }
0x20: {  	s5 =	sshll.u32 s28, $0x1;
	[dreg:$0x2] =	wrdreg s3  }
0x21: {  	[dreg:$0x3] =	wrdreg s5  }
0x22: {  	[dreg:$0x4] =	wrdreg $0xC0  }
0x23: {  	_ =	task [dreg:s7], $0x5FFFF  }
0x24: {  	[dreg:$0x1] =	wrdreg $0xFFFFFFFF  }
0x25: {  	[dreg:$0x0] =	wrdreg $0x60  }
0x26: {  	[dreg:$0x2] =	wrdreg s2  }
0x27: {  	[dreg:$0x3] =	wrdreg s25  }
0x28: {  	[dreg:$0x4] =	wrdreg $0xA  }
0x29: {  	_ =	task.clear_ibuf [dreg:s7], $0x5FFFF;
	_ =	strace $0x90000046  }
0x2a: {  	s29 =	simm.s32 $0xA;
	_ =	strace $0x80000048  }
0x2b: {  	_ =	swait.ge [sflag:s29], $0x1  }
0x2c: {  	[sflag:s29] =	ssyncadd.s32 $0xFFFFFFFF  }
0x2d: {  	_ =	strace $0x90000048  }
0x2e: {  	_ =	sfence  }
0x2f: {  	s30 =	sld [smem:$0x0];
	_ =	sdelay $0x2  }
0x30: {  	s31 =	sshll.u32 s1, $0xD;
	s1 =	sshrl.u32 s1, $0x2  }
0x31: {  	s3 =	sand.u32 $0x4000, s31;
	s1 =	sadd.s32 s1, s30  }
0x32: {  	s0 =	sor.u32 s3, s0;
	s1 =	sshll.u32 s1, $0x11  }
0x33: {  	s0 =	sor.u32 s1, s0  }
0x34: {  	s0 =	sadd.s32 $0x8F2B, s0  }
0x35: {  	[sflag:s0] =	ssyncadd.remote.s32 $0x1  }
0x36: {  	_ =	sfence.sel $0xFFFF  }
0x37: {  	[dreg:$0x0] =	wrdreg $0xFFFFFFFF;
	(pc) =	sbr.abs _section_cstart, $3  }
0x38: {  	[dreg:$0x1] =	wrdreg $0xFFFFFFFF  }
0x39: {  	_ =	task.clear_ibuf [dreg:s7], $0x2FFFF;
	_ =	strace $0x9FFFFFFF  }
0x3a: {  	(tm) =	ssettm $0x7FFFFFFF  }
0x3b: {  	_ =	shalt  }
tec
execute0_lowered:
.L_overlay_start_1:
0x0: {  	(tag) =	ssettag $0x1  }
0x1: {  	s0 =	srdreg.scid  }
0x2: {  	s1 =	sshll.u32 s0, $0x4  }
0x3: {  	s2 =	rddreg [dreg:$0x0];
	s0 =	stileid.u32;
	s1 =	sand.u32 $0x10, s1  }
0x4: {  	s4 =	rddreg [dreg:$0x1];
	s7 =	simm.s32 $0x1;
	s1 =	sor.u32 s0, s1  }
0x5: {  	s8 =	simm.s32 $0x2;
	s9 =	simm.s32 $0x0;
	s3 =	sshll.u32 s1, $0x2  }
0x6: {  	s12 =	simm.s32 $0x0;
	s11 =	simm.s32 $0x0;
	s6 =	ssub.s32 $0x800, s3  }
.Ltmp0:
0x7: {  	s4 =	sadd.s32 $0xC00, s4;
	s5 =	sand.u32 $0x7C, s6;
	(pc) =	sbr.rel .LBB1_1-.Ltmp0, $4  }
0x8: {  	s1 =	rddreg [dreg:$0x2];
	_ =	strace $0x80000047;
	p0 =	sne.s32 s5, $0x0  }
0x9: {  	s6 =	sshrl.u32 s6, $0x7;
	s5 =	simm.s32 $0x1;
	s7 =	simm.s32 @!p0 $0x0  }
0xa: {  	s10 =	smov.u32 s3;
	[sflag:s5] =	ssyncpa.u1 $0x0;
	s6 =	sadd.s32 s7, s6  }
0xb: {  	[sflag:s8] =	ssyncpa.u1 $0x0;
	s8 =	simm.s32 $0x0;
	s7 =	sadd.s32 $0x1, s6  }
.LBB1_9:
0xc: {  	s14 =	sadd.s32 $0x80, s10  }
0xd: {  	p1 =	sgt.s32 s14, $0x7FF  }
0xe: {  	s14 =	smov.u32 @p1 s3;
	p1 =	sne.s32 s11, s7  }
.Ltmp1:
0xf: {  	p0 =	slt.u32 s11, $0x2;
	(pc) =	sbr.rel @!p1 .LBB1_10-.Ltmp1, $4  }
0x10: {  	s13 =	simm.s32 @!p0 $0x2  }
0x11: {  	s15 =	sadd.s32 $0x1, s11;
	_ =	swait.ge @!p0 [sflag:s13], $0x4000  }
0x12: {  	s12 =	smov.u32 s10;
	s9 =	sadd.s32 $0x4000, s9;
	[sflag:s13] =	ssyncset.done @!p0 $0x0  }
0x13: {  	s11 =	smov.u32 s15;
	s10 =	smov.u32 s14;
	[sflag:s13] =	ssyncadd.s32 @!p0 $0xFFFFC000  }
.LBB1_1:
0x14: {  	p0 =	sge.u32 s11, s6  }
0x15: {  	s13 =	sxor.u32 @!p0 $0xFFFFFFFF, s11  }
0x16: {  	s31 =	sadd.s32 $0xFFFFFFFF, s11;
	s14 =	sshll.u32 @!p0 s10, $0x9;
	s13 =	sshll.u32 @!p0 s13, $0xE  }
0x17: {  	s15 =	simm.s32 @!p0 $0x0;
	s14 =	sadd.s32 @!p0 s2, s14;
	s13 =	sand.u32 @!p0 $0x4000, s13  }
0x18: {  	[tilespmem:s13], [sflag:$0x1] =	stream.linear.gather @!p0 [hbm4b:s14+s15], $0x4000, $0x38;
	[tilespmem:$0x10000] =	vst v63  }
0x19: {  	p0 =	sge.u32 s31, s6  }
.Ltmp2:
0x1a: {  	_ = 	snop;
	(pc) =	sbr.rel @p0 .LBB1_9-.Ltmp2, $1  }
0x1b: {  	_ =	sdelay $0x3  }
0x1c: {  	s14 =	sand.u32 $0x4000, s9  }
0x1d: {  	_ =	swait.ge [sflag:s5], $0x4000;
	s15 =	sshll.u32 s11, $0xE;
	s16 =	simm.s32 $0x0  }
0x1e: {  	s13 =	sor.u32 $0x8040, s14;
	[sflag:s5] =	ssyncset.done $0x0;
	s15 =	sand.u32 $0x4000, s15  }
0x1f: {  	s14 =	sor.u32 $0x40, s14;
	[sflag:s5] =	ssyncadd.s32 $0xFFFFC000;
	s15 =	sor.u32 $0x8000, s15  }
.LBB1_3:
0x20: {  	s17 =	smov.u32 s14;
	s18 =	smov.u32 s13;
	s19 =	simm.s32 $0x0  }
.LBB1_4:
0x21: {  	v0 =	vmov s17;
	_ =	sdelay $0x3  }
0x22: {  	s21 =	simm.s32 $0x0  }
0x23: {  	v6 =	vld.idx.msk [tilespmem:v0+s21+$0x30 ss:$0x1], $0xffff  }
0x24: {  	v7 =	vld.idx.msk [tilespmem:v0+s21+$0xFFFFFFC0 ss:$0x1], $0xffff  }
0x25: {  	v5 =	vld.idx.msk [tilespmem:v0+s21+$0xFFFFFFD0 ss:$0x1], $0xffff  }
0x26: {  	v4 =	vld.idx.msk [tilespmem:v0+s21+$0xFFFFFFE0 ss:$0x1], $0xffff  }
0x27: {  	v3 =	vld.idx.msk [tilespmem:v0+s21+$0xFFFFFFF0 ss:$0x1], $0xffff  }
0x28: {  	v1 =	vld.idx.msk [tilespmem:v0+s21+$0x0 ss:$0x1], $0xffff  }
0x29: {  	v2 =	vld.idx.msk [tilespmem:v0+s21+$0x10 ss:$0x1], $0xffff;
	[tilespmem:s18+$0x30] =	vst v6  }
0x2a: {  	s20 =	simm.s32 $0x80;
	s22 =	simm.s32 $0x400;
	[tilespmem:s18+$0xFFFFFFC0] =	vst v7;
	v6 =	vld.idx.msk [tilespmem:v0+s21+$0x20 ss:$0x1], $0xffff;
	s21 =	smov.u32 s18  }
.LBB1_5:
0x2b: {  	p0 =	sne.s32 s22, $0x600;
	v7 =	vld.idx.msk [tilespmem:v0+s20+$0x30 ss:$0x1], $0xffff;
	[tilespmem:s21+$0xFFFFFFD0] =	vst v5  }
0x2c: {  	v8 =	vld.idx.msk [tilespmem:v0+s20+$0xFFFFFFC0 ss:$0x1], $0xffff;
	[tilespmem:s21+$0xFFFFFFE0] =	vst v4  }
0x2d: {  	v5 =	vld.idx.msk [tilespmem:v0+s20+$0xFFFFFFD0 ss:$0x1], $0xffff;
	[tilespmem:s21+$0xFFFFFFF0] =	vst v3  }
.Ltmp3:
0x2e: {  	v4 =	vld.idx.msk [tilespmem:v0+s20+$0xFFFFFFE0 ss:$0x1], $0xffff;
	[tilespmem:s21+$0x0] =	vst v1;
	(pc) =	sbr.rel @p0 .LBB1_5-.Ltmp3, $4  }
0x2f: {  	v3 =	vld.idx.msk [tilespmem:v0+s20+$0xFFFFFFF0 ss:$0x1], $0xffff;
	[tilespmem:s21+$0x10] =	vst v2  }
0x30: {  	v1 =	vld.idx.msk [tilespmem:v0+s20+$0x0 ss:$0x1], $0xffff;
	[tilespmem:s21+$0x20] =	vst v6;
	s21 =	sadd.s32 $0x400, s21  }
0x31: {  	v2 =	vld.idx.msk [tilespmem:v0+s20+$0x10 ss:$0x1], $0xffff;
	[tilespmem:s21+$0x30] =	vst v7  }
0x32: {  	[tilespmem:s21+$0xFFFFFFC0] =	vst v8;
	v6 =	vld.idx.msk [tilespmem:v0+s20+$0x20 ss:$0x1], $0xffff;
	s20 =	sshra.s32 s22, $0x2;
	s22 =	sadd.s32 $0x200, s22  }
0x33: {  	_ =	sdelay $0x2  }
0x34: {  	[tilespmem:s21+$0xFFFFFFD0] =	vst v5  }
0x35: {  	v56 =	vld.idx.msk [tilespmem:v0+s20+$0x30 ss:$0x1], $0xffff;
	[tilespmem:s21+$0xFFFFFFE0] =	vst v4  }
0x36: {  	v57 =	vld.idx.msk [tilespmem:v0+s20+$0xFFFFFFC0 ss:$0x1], $0xffff;
	[tilespmem:s21+$0xFFFFFFF0] =	vst v3  }
0x37: {  	v58 =	vld.idx.msk [tilespmem:v0+s20+$0xFFFFFFD0 ss:$0x1], $0xffff;
	[tilespmem:s21+$0x0] =	vst v1  }
0x38: {  	v59 =	vld.idx.msk [tilespmem:v0+s20+$0xFFFFFFE0 ss:$0x1], $0xffff;
	[tilespmem:s21+$0x10] =	vst v2  }
0x39: {  	v60 =	vld.idx.msk [tilespmem:v0+s20+$0xFFFFFFF0 ss:$0x1], $0xffff;
	s31 =	sadd.s32 $0x400, s21;
	[tilespmem:s21+$0x20] =	vst v6  }
0x3a: {  	v61 =	vld.idx.msk [tilespmem:v0+s20+$0x0 ss:$0x1], $0xffff;
	[tilespmem:s31+$0x30] =	vst v56  }
0x3b: {  	v62 =	vld.idx.msk [tilespmem:v0+s20+$0x10 ss:$0x1], $0xffff;
	s19 =	sadd.s32 $0x1, s19;
	[tilespmem:s31+$0xFFFFFFC0] =	vst v57  }
0x3c: {  	v63 =	vld.idx.msk [tilespmem:v0+s20+$0x20 ss:$0x1], $0xffff;
	p0 =	sne.s32 s19, $0x8;
	[tilespmem:s31+$0xFFFFFFD0] =	vst v58  }
.Ltmp4:
0x3d: {  	[tilespmem:s31+$0xFFFFFFE0] =	vst v59;
	(pc) =	sbr.rel @p0 .LBB1_4-.Ltmp4, $4  }
0x3e: {  	[tilespmem:s31+$0xFFFFFFF0] =	vst v60  }
0x3f: {  	[tilespmem:s31+$0x0] =	vst v61  }
0x40: {  	[tilespmem:s31+$0x10] =	vst v62  }
0x41: {  	s18 =	sadd.s32 $0x80, s18;
	s17 =	sadd.s32 $0x200, s17;
	[tilespmem:s31+$0x20] =	vst v63  }
0x42: {  	s16 =	sadd.s32 $0x1, s16  }
0x43: {  	p0 =	sne.s32 s16, $0x4  }
.Ltmp5:
0x44: {  	_ = 	snop;
	(pc) =	sbr.rel @p0 .LBB1_3-.Ltmp5, $2  }
0x45: {  	_ =	sdelay $0x2  }
0x46: {  	s13 =	sadd.s32 $0x1000, s13;
	s14 =	sadd.s32 $0x1000, s14  }
.Ltmp6:
0x47: {  	(pc) =	sbr.rel .LBB1_9-.Ltmp6, $4  }
0x48: {  	_ = 	snop  }
0x49: {  	s12 =	sshll.u32 s12, $0x9  }
0x4a: {  	s12 =	sadd.s32 s4, s12  }
0x4b: {  	[hbm4b:s12+s8] =	stream.linear.scatter [tilespmem:s15], [sflag:$0x2], $0x4000, $0x38;
	[tilespmem:$0x10000] =	vst v63  }
.LBB1_10:
0x4c: {  	_ =	sfence.sel $0x180000  }
0x4d: {  	s2 =	simm.s32 $0x1;
	[bflag:$0x0] =	sbarrier.arrive $0xFFFF  }
0x4e: {  	s31 =	simm.s32 $0x2;
	[sflag:s2] =	ssyncpa.u1 $0x1  }
0x4f: {  	[sflag:s31] =	ssyncpa.u1 $0x1  }
0x50: {  	p0 =	sne.s32 s0, $0x0;
	_ =	strace $0x90000047  }
0x51: {  	s0 =	sadd.s32 @!p0 $0x100000, s1;
	[bflag:$0x2] =	sbarrier.arrive $0xFFFF  }
0x52: {  	[sflag:s0] =	ssyncadd.tile.s32 @!p0 $0x1;
	_ =	shalt  }
.Lfunc_end1:
_tile_overlayer_lowered:
.L_overlay_start_2:
0x53: {  	(tag) =	ssettag $0x2  }
0x54: {  	s0 =	rddreg [dreg:$0x0];
	s2 =	stileid.u32  }
0x55: {  	s1 =	rddreg [dreg:$0x1];
	p0 =	sne.s32 s2, $0x0  }
0x56: {  	s3 =	rddreg [dreg:$0x2];
	[bflag:$0x3] =	sbarrier.arrive $0xFFFF;
	s2 =	simm.s32 @!p0 $0x1C01  }
0x57: {  	[timem:s3], [sflag:s2] =	dma.local @!p0 [hbm:s0], s1  }
0x58: {  	s0 =	simm.s32 @!p0 $0x1  }
0x59: {  	_ =	swait.ge @!p0 [sflag:s0], s1  }
0x5a: {  	s1 =	ssub.s32 @!p0 $0x0, s1;
	[sflag:s0] =	ssyncset.done @!p0 $0x0  }
0x5b: {  	[sflag:s0] =	ssyncadd.s32 @!p0 s1  }
0x5c: {  	[bflag:$0x3] =	sbarrier.arrive $0xFFFF  }
0x5d: {  	_ =	shalt  }

// kernel: sparse-core-data-format-call.cloned.1.call-start
scs
called_computation_lowered:
.L_overlay_start_0:
0x0: {  	s2 =	sld [smem:$0x3FD9]  }
0x1: {  	s3 =	sld [smem:$0x3FFE];
	_ =	sdelay $0x1  }
0x2: {  	s1 =	srdreg.scid  }
0x3: {  	s0 =	sand.u32 $0x1, s1  }
0x4: {  	s19 =	sshll.u32 s0, $0xA;
	s2 =	sadd.s32 s3, s2  }
0x5: {  	s2 =	sadd.s32 s2, s19  }
0x6: {  	[smem:$0x3FC4] =	sst s2  }
0x7: {  	_ = 	snop  }
0x8: {  	s20 =	sld [smem:$0x3FC8]  }
0x9: {  	s4 =	sld [smem:$0x3FD0];
	(tm) =	ssettm $0x1  }
0xa: {  	s21 =	sld [smem:$0x3FFB];
	_ =	sdelay $0x3  }
0xb: {  	_ =	strace s21  }
0xc: {  	s2 =	sld [smem:$0x3FFC];
	_ =	sdelay $0x3  }
0xd: {  	_ =	strace s2  }
0xe: {  	s2 =	sld [smem:$0x3FFD];
	_ =	sdelay $0x3  }
0xf: {  	_ =	strace s2  }
0x10: {  	_ =	strace $0x8FFFFFFF  }
0x11: {  	s22 =	sld [smem:$0x3FDB];
	_ =	sdelay $0x1  }
0x12: {  	s5 =	simm.s32 $_scs_section_size  }
0x13: {  	s6 =	simm.s32 $_size__tile_overlayer_lowered;
	s7 =	simm.s32 $_tile_overlayer_lowered  }
0x14: {  	s8 =	simm.s32 $0x1BFF;
	s23 =	sshll.u32 s7, $0x1;
	s5 =	sadd.s32 s5, s22  }
0x15: {  	s24 =	simm.s32 $0x0;
	s6 =	sshll.u32 s6, $0x1;
	s7 =	sadd.s32 s23, s5  }
0x16: {  	[timem:s24], [sflag:s8] =	dma.local [hbm:s7], s6  }
0x17: {  	_ =	swait.ge [sflag:s8], s6  }
0x18: {  	s6 =	ssub.s32 $0x0, s6;
	[sflag:s8] =	ssyncset.done $0x0  }
0x19: {  	[sflag:s8] =	ssyncadd.s32 s6;
	_ =	sdelay $0x1  }
0x1a: {  	s25 =	simm.s32 $0x1B8B  }
0x1b: {  	_ =	swait.ge [sflag:s25], $0x1  }
0x1c: {  	[sflag:s25] =	ssyncset.done $0x0  }
0x1d: {  	[sflag:s25] =	ssyncadd.s32 $0xFFFFFFFF  }
0x1e: {  	s6 =	sld [smem:$0x0]  }
0x1f: {  	s7 =	sand.u32 $0xFFFFFFFE, s1  }
0x20: {  	p0 =	sne.s32 s1, s7  }
0x21: {  	s7 =	sshll.u32 @p0 s7, $0xE  }
0x22: {  	s7 =	sadd.s32 @p0 $0x11B8D, s7;
	s8 =	sshll.u32 @p0 s6, $0x11  }
0x23: {  	s7 =	sor.u32 @p0 s8, s7  }
0x24: {  	[sflag:s7] =	ssyncadd.remote.s32 @p0 $0x1;
	_ =	sdelay $0x1  }
0x25: {  	s7 =	simm.s32 @p0 $0x1B8D  }
0x26: {  	_ =	swait.eq @p0 [sflag:s7], $0x1  }
0x27: {  	[sflag:s7] =	ssyncadd.s32 @p0 $0xFFFFFFFF  }
0x28: {  	s8 =	sshll.u32 @!p0 s1, $0xE  }
0x29: {  	s8 =	sor.u32 @!p0 $0x4000, s8;
	s7 =	simm.s32 @!p0 $0x1B8D  }
0x2a: {  	s6 =	sshll.u32 @!p0 s6, $0x11;
	s8 =	sadd.s32 @!p0 $0x11B8D, s8;
	_ =	swait.eq @!p0 [sflag:s7], $0x1  }
0x2b: {  	s6 =	sor.u32 @!p0 s6, s8;
	[sflag:s7] =	ssyncadd.s32 @!p0 $0xFFFFFFFF  }
0x2c: {  	s26 =	simm.s32 $0x1B8E;
	[sflag:s6] =	ssyncadd.remote.s32 @!p0 $0x1  }
0x2d: {  	s27 =	simm.s32 $execute0_lowered;
	[smem:$0x3FD2] =	sst s26  }
0x2e: {  	s6 =	sshll.u32 s27, $0x1;
	_ =	strace $0x80000049;
	[dreg:$0x1] =	wrdreg $0xFFFFFFFF  }
0x2f: {  	s28 =	simm.s32 $_size_execute0_lowered;
	s5 =	sadd.s32 s5, s6;
	[dreg:$0x0] =	wrdreg $0x0  }
0x30: {  	s6 =	sshll.u32 s28, $0x1;
	[dreg:$0x2] =	wrdreg s5  }
0x31: {  	[dreg:$0x3] =	wrdreg s6  }
0x32: {  	[dreg:$0x4] =	wrdreg $0xC0  }
0x33: {  	_ =	task [dreg:s24], $0x5FFFF  }
0x34: {  	[dreg:$0x1] =	wrdreg $0xFFFFFFFF  }
0x35: {  	[dreg:$0x0] =	wrdreg $0x60  }
0x36: {  	[dreg:$0x2] =	wrdreg s20  }
0x37: {  	[dreg:$0x3] =	wrdreg s4  }
0x38: {  	[dreg:$0x4] =	wrdreg $0x9  }
0x39: {  	_ =	task.clear_ibuf [dreg:s24], $0x5FFFF;
	_ =	strace $0x90000049  }
0x3a: {  	s29 =	simm.s32 $0x9;
	_ =	strace $0x8000004B  }
0x3b: {  	_ =	swait.ge [sflag:s29], $0x1  }
0x3c: {  	[sflag:s29] =	ssyncadd.s32 $0xFFFFFFFF  }
0x3d: {  	_ =	strace $0x9000004B  }
0x3e: {  	_ =	sfence  }
0x3f: {  	s30 =	sld [smem:$0x0];
	_ =	sdelay $0x2  }
0x40: {  	s31 =	sshll.u32 s1, $0xD;
	s1 =	sshrl.u32 s1, $0x2  }
0x41: {  	s4 =	sand.u32 $0x4000, s31;
	s1 =	sadd.s32 s1, s30  }
0x42: {  	s0 =	sor.u32 s4, s0;
	s1 =	sshll.u32 s1, $0x11  }
0x43: {  	s0 =	sor.u32 s1, s0  }
0x44: {  	s0 =	sadd.s32 $0x8F2B, s0  }
0x45: {  	[sflag:s0] =	ssyncadd.remote.s32 $0x1  }
0x46: {  	_ =	sfence.sel $0xFFFF  }
0x47: {  	[dreg:$0x0] =	wrdreg $0xFFFFFFFF;
	(pc) =	sbr.abs _section_cstart, $3  }
0x48: {  	[dreg:$0x1] =	wrdreg $0xFFFFFFFF  }
0x49: {  	_ =	task.clear_ibuf [dreg:s24], $0x2FFFF;
	_ =	strace $0x9FFFFFFF  }
0x4a: {  	(tm) =	ssettm $0x7FFFFFFF  }
0x4b: {  	_ =	shalt  }
tec
execute0_lowered:
.L_overlay_start_1:
0x0: {  	(tag) =	ssettag $0x1  }
0x1: {  	s0 =	srdreg.scid  }
0x2: {  	s1 =	sshll.u32 s0, $0x4  }
0x3: {  	s2 =	rddreg [dreg:$0x0];
	s0 =	stileid.u32;
	s1 =	sand.u32 $0x10, s1  }
0x4: {  	s4 =	rddreg [dreg:$0x1];
	s1 =	sor.u32 s0, s1  }
0x5: {  	s7 =	simm.s32 $0x1;
	s8 =	simm.s32 $0x2;
	s3 =	sshll.u32 s1, $0x2  }
0x6: {  	s9 =	simm.s32 $0x0;
	s12 =	simm.s32 $0x0;
	s6 =	ssub.s32 $0x4000, s3  }
.Ltmp0:
0x7: {  	s11 =	simm.s32 $0x0;
	s5 =	sand.u32 $0x7C, s6;
	(pc) =	sbr.rel .LBB1_1-.Ltmp0, $4  }
0x8: {  	s1 =	rddreg [dreg:$0x2];
	_ =	strace $0x8000004A;
	p0 =	sne.s32 s5, $0x0  }
0x9: {  	s6 =	sshrl.u32 s6, $0x7;
	s5 =	simm.s32 $0x1;
	s7 =	simm.s32 @!p0 $0x0  }
0xa: {  	s10 =	smov.u32 s3;
	[sflag:s5] =	ssyncpa.u1 $0x0;
	s6 =	sadd.s32 s7, s6  }
0xb: {  	[sflag:s8] =	ssyncpa.u1 $0x0;
	s8 =	simm.s32 $0x0;
	s7 =	sadd.s32 $0x1, s6  }
.LBB1_9:
0xc: {  	s14 =	sadd.s32 $0x80, s10  }
0xd: {  	p1 =	sgt.s32 s14, $0x3FFF  }
0xe: {  	s14 =	smov.u32 @p1 s3;
	p1 =	sne.s32 s11, s7  }
.Ltmp1:
0xf: {  	p0 =	slt.u32 s11, $0x2;
	(pc) =	sbr.rel @!p1 .LBB1_10-.Ltmp1, $4  }
0x10: {  	s13 =	simm.s32 @!p0 $0x2  }
0x11: {  	s15 =	sadd.s32 $0x1, s11;
	_ =	swait.ge @!p0 [sflag:s13], $0x4000  }
0x12: {  	s12 =	smov.u32 s10;
	s9 =	sadd.s32 $0x4000, s9;
	[sflag:s13] =	ssyncset.done @!p0 $0x0  }
0x13: {  	s11 =	smov.u32 s15;
	s10 =	smov.u32 s14;
	[sflag:s13] =	ssyncadd.s32 @!p0 $0xFFFFC000  }
.LBB1_1:
0x14: {  	p0 =	sge.u32 s11, s6  }
0x15: {  	s13 =	sxor.u32 @!p0 $0xFFFFFFFF, s11  }
0x16: {  	s31 =	sadd.s32 $0xFFFFFFFF, s11;
	s14 =	sshll.u32 @!p0 s10, $0x9;
	s13 =	sshll.u32 @!p0 s13, $0xE  }
0x17: {  	s15 =	simm.s32 @!p0 $0x0;
	s14 =	sadd.s32 @!p0 s2, s14;
	s13 =	sand.u32 @!p0 $0x4000, s13  }
0x18: {  	[tilespmem:s13], [sflag:$0x1] =	stream.linear.gather @!p0 [hbm4b:s14+s15], $0x4000, $0x38;
	[tilespmem:$0x10000] =	vst v63  }
0x19: {  	p0 =	sge.u32 s31, s6  }
.Ltmp2:
0x1a: {  	_ = 	snop;
	(pc) =	sbr.rel @p0 .LBB1_9-.Ltmp2, $1  }
0x1b: {  	_ =	sdelay $0x3  }
0x1c: {  	s14 =	sand.u32 $0x4000, s9  }
0x1d: {  	_ =	swait.ge [sflag:s5], $0x4000;
	s15 =	sshll.u32 s11, $0xE;
	s16 =	simm.s32 $0x0  }
0x1e: {  	s13 =	sor.u32 $0x8040, s14;
	[sflag:s5] =	ssyncset.done $0x0;
	s15 =	sand.u32 $0x4000, s15  }
0x1f: {  	s14 =	sor.u32 $0x40, s14;
	[sflag:s5] =	ssyncadd.s32 $0xFFFFC000;
	s15 =	sor.u32 $0x8000, s15  }
.LBB1_3:
0x20: {  	s17 =	smov.u32 s14;
	s18 =	smov.u32 s13;
	s19 =	simm.s32 $0x0  }
.LBB1_4:
0x21: {  	v0 =	vmov s17;
	_ =	sdelay $0x3  }
0x22: {  	s21 =	simm.s32 $0x0  }
0x23: {  	v6 =	vld.idx.msk [tilespmem:v0+s21+$0x30 ss:$0x1], $0xffff  }
0x24: {  	v7 =	vld.idx.msk [tilespmem:v0+s21+$0xFFFFFFC0 ss:$0x1], $0xffff  }
0x25: {  	v5 =	vld.idx.msk [tilespmem:v0+s21+$0xFFFFFFD0 ss:$0x1], $0xffff  }
0x26: {  	v4 =	vld.idx.msk [tilespmem:v0+s21+$0xFFFFFFE0 ss:$0x1], $0xffff  }
0x27: {  	v3 =	vld.idx.msk [tilespmem:v0+s21+$0xFFFFFFF0 ss:$0x1], $0xffff  }
0x28: {  	v1 =	vld.idx.msk [tilespmem:v0+s21+$0x0 ss:$0x1], $0xffff  }
0x29: {  	v2 =	vld.idx.msk [tilespmem:v0+s21+$0x10 ss:$0x1], $0xffff;
	[tilespmem:s18+$0x30] =	vst v6  }
0x2a: {  	s20 =	simm.s32 $0x80;
	s22 =	simm.s32 $0x400;
	[tilespmem:s18+$0xFFFFFFC0] =	vst v7;
	v6 =	vld.idx.msk [tilespmem:v0+s21+$0x20 ss:$0x1], $0xffff;
	s21 =	smov.u32 s18  }
.LBB1_5:
0x2b: {  	p0 =	sne.s32 s22, $0x600;
	v7 =	vld.idx.msk [tilespmem:v0+s20+$0x30 ss:$0x1], $0xffff;
	[tilespmem:s21+$0xFFFFFFD0] =	vst v5  }
0x2c: {  	v8 =	vld.idx.msk [tilespmem:v0+s20+$0xFFFFFFC0 ss:$0x1], $0xffff;
	[tilespmem:s21+$0xFFFFFFE0] =	vst v4  }
0x2d: {  	v5 =	vld.idx.msk [tilespmem:v0+s20+$0xFFFFFFD0 ss:$0x1], $0xffff;
	[tilespmem:s21+$0xFFFFFFF0] =	vst v3  }
.Ltmp3:
0x2e: {  	v4 =	vld.idx.msk [tilespmem:v0+s20+$0xFFFFFFE0 ss:$0x1], $0xffff;
	[tilespmem:s21+$0x0] =	vst v1;
	(pc) =	sbr.rel @p0 .LBB1_5-.Ltmp3, $4  }
0x2f: {  	v3 =	vld.idx.msk [tilespmem:v0+s20+$0xFFFFFFF0 ss:$0x1], $0xffff;
	[tilespmem:s21+$0x10] =	vst v2  }
0x30: {  	v1 =	vld.idx.msk [tilespmem:v0+s20+$0x0 ss:$0x1], $0xffff;
	[tilespmem:s21+$0x20] =	vst v6;
	s21 =	sadd.s32 $0x400, s21  }
0x31: {  	v2 =	vld.idx.msk [tilespmem:v0+s20+$0x10 ss:$0x1], $0xffff;
	[tilespmem:s21+$0x30] =	vst v7  }
0x32: {  	[tilespmem:s21+$0xFFFFFFC0] =	vst v8;
	v6 =	vld.idx.msk [tilespmem:v0+s20+$0x20 ss:$0x1], $0xffff;
	s20 =	sshra.s32 s22, $0x2;
	s22 =	sadd.s32 $0x200, s22  }
0x33: {  	_ =	sdelay $0x2  }
0x34: {  	[tilespmem:s21+$0xFFFFFFD0] =	vst v5  }
0x35: {  	v56 =	vld.idx.msk [tilespmem:v0+s20+$0x30 ss:$0x1], $0xffff;
	[tilespmem:s21+$0xFFFFFFE0] =	vst v4  }
0x36: {  	v57 =	vld.idx.msk [tilespmem:v0+s20+$0xFFFFFFC0 ss:$0x1], $0xffff;
	[tilespmem:s21+$0xFFFFFFF0] =	vst v3  }
0x37: {  	v58 =	vld.idx.msk [tilespmem:v0+s20+$0xFFFFFFD0 ss:$0x1], $0xffff;
	[tilespmem:s21+$0x0] =	vst v1  }
0x38: {  	v59 =	vld.idx.msk [tilespmem:v0+s20+$0xFFFFFFE0 ss:$0x1], $0xffff;
	[tilespmem:s21+$0x10] =	vst v2  }
0x39: {  	v60 =	vld.idx.msk [tilespmem:v0+s20+$0xFFFFFFF0 ss:$0x1], $0xffff;
	s31 =	sadd.s32 $0x400, s21;
	[tilespmem:s21+$0x20] =	vst v6  }
0x3a: {  	v61 =	vld.idx.msk [tilespmem:v0+s20+$0x0 ss:$0x1], $0xffff;
	[tilespmem:s31+$0x30] =	vst v56  }
0x3b: {  	v62 =	vld.idx.msk [tilespmem:v0+s20+$0x10 ss:$0x1], $0xffff;
	s19 =	sadd.s32 $0x1, s19;
	[tilespmem:s31+$0xFFFFFFC0] =	vst v57  }
0x3c: {  	v63 =	vld.idx.msk [tilespmem:v0+s20+$0x20 ss:$0x1], $0xffff;
	p0 =	sne.s32 s19, $0x8;
	[tilespmem:s31+$0xFFFFFFD0] =	vst v58  }
.Ltmp4:
0x3d: {  	[tilespmem:s31+$0xFFFFFFE0] =	vst v59;
	(pc) =	sbr.rel @p0 .LBB1_4-.Ltmp4, $4  }
0x3e: {  	[tilespmem:s31+$0xFFFFFFF0] =	vst v60  }
0x3f: {  	[tilespmem:s31+$0x0] =	vst v61  }
0x40: {  	[tilespmem:s31+$0x10] =	vst v62  }
0x41: {  	s18 =	sadd.s32 $0x80, s18;
	s17 =	sadd.s32 $0x200, s17;
	[tilespmem:s31+$0x20] =	vst v63  }
0x42: {  	s16 =	sadd.s32 $0x1, s16  }
0x43: {  	p0 =	sne.s32 s16, $0x4  }
.Ltmp5:
0x44: {  	_ = 	snop;
	(pc) =	sbr.rel @p0 .LBB1_3-.Ltmp5, $2  }
0x45: {  	_ =	sdelay $0x2  }
0x46: {  	s13 =	sadd.s32 $0x1000, s13;
	s14 =	sadd.s32 $0x1000, s14  }
.Ltmp6:
0x47: {  	(pc) =	sbr.rel .LBB1_9-.Ltmp6, $4  }
0x48: {  	_ = 	snop  }
0x49: {  	s12 =	sshll.u32 s12, $0x9  }
0x4a: {  	s12 =	sadd.s32 s4, s12  }
0x4b: {  	[hbm4b:s12+s8] =	stream.linear.scatter [tilespmem:s15], [sflag:$0x2], $0x4000, $0x38;
	[tilespmem:$0x10000] =	vst v63  }
.LBB1_10:
0x4c: {  	_ =	sfence.sel $0x180000  }
0x4d: {  	s2 =	simm.s32 $0x1;
	[bflag:$0x0] =	sbarrier.arrive $0xFFFF  }
0x4e: {  	s31 =	simm.s32 $0x2;
	[sflag:s2] =	ssyncpa.u1 $0x1  }
0x4f: {  	[sflag:s31] =	ssyncpa.u1 $0x1  }
0x50: {  	p0 =	sne.s32 s0, $0x0;
	_ =	strace $0x9000004A  }
0x51: {  	s0 =	sadd.s32 @!p0 $0x100000, s1;
	[bflag:$0x2] =	sbarrier.arrive $0xFFFF  }
0x52: {  	[sflag:s0] =	ssyncadd.tile.s32 @!p0 $0x1;
	_ =	shalt  }
.Lfunc_end1:
_tile_overlayer_lowered:
.L_overlay_start_2:
0x53: {  	(tag) =	ssettag $0x2  }
0x54: {  	s0 =	rddreg [dreg:$0x0];
	s2 =	stileid.u32  }
0x55: {  	s1 =	rddreg [dreg:$0x1];
	p0 =	sne.s32 s2, $0x0  }
0x56: {  	s3 =	rddreg [dreg:$0x2];
	[bflag:$0x3] =	sbarrier.arrive $0xFFFF;
	s2 =	simm.s32 @!p0 $0x1C01  }
0x57: {  	[timem:s3], [sflag:s2] =	dma.local @!p0 [hbm:s0], s1  }
0x58: {  	s0 =	simm.s32 @!p0 $0x1  }
0x59: {  	_ =	swait.ge @!p0 [sflag:s0], s1  }
0x5a: {  	s1 =	ssub.s32 @!p0 $0x0, s1;
	[sflag:s0] =	ssyncset.done @!p0 $0x0  }
0x5b: {  	[sflag:s0] =	ssyncadd.s32 @!p0 s1  }
0x5c: {  	[bflag:$0x3] =	sbarrier.arrive $0xFFFF  }
0x5d: {  	_ =	shalt  }

</sc_bundles>
